<compile_context>
chip_gen: v7x
topology: tpu7x:2x2x1
jax: 0.10.2.dev20260603
libtpu: 0.0.44.dev20260713+nightly
codegen_flags: <defaults>
</compile_context>

<pallas_src>
import functools

import jax
import jax.numpy as jnp
from jax import lax
from jax.experimental import pallas as pl
from jax.experimental.pallas import tpu as pltpu
from jax.experimental.pallas import tpu_sc as plsc

VOCAB = 100000
D = 128
B = 1024
S = 200
N = B * S
EPS = 1e-6

NUM_CORES = 2
NUM_SUBCORES = 16
NW = NUM_CORES * NUM_SUBCORES
ROWS_PER_W = N // NW
CHUNK = 128
NCHUNK = ROWS_PER_W // CHUNK
NBUF = 3


def _dual_gather(src0_flat, src1_flat, W0, W1):
    mesh = plsc.VectorSubcoreMesh(core_axis_name="c", subcore_axis_name="s")

    buf_types = [pltpu.VMEM((CHUNK, D), jnp.float32)
                 for _ in range(2 * NBUF)]
    sem_types = [pltpu.SemaphoreType.DMA for _ in range(4 * NBUF)]

    @functools.partial(
        pl.kernel,
        mesh=mesh,
        out_type=[
            jax.ShapeDtypeStruct((N, D), jnp.float32),
            jax.ShapeDtypeStruct((N, D), jnp.float32),
        ],
        scratch_types=[
            pltpu.VMEM((ROWS_PER_W,), jnp.int32),
            pltpu.VMEM((ROWS_PER_W,), jnp.int32),
        ] + buf_types + sem_types,
    )
    def body(w0_hbm, w1_hbm, i0_hbm, i1_hbm, o0_hbm, o1_hbm,
             idx0_v, idx1_v, *bufsems):
        bufs = bufsems[:2 * NBUF]
        gsems = bufsems[2 * NBUF:3 * NBUF] + bufsems[3 * NBUF:4 * NBUF]
        osems = bufsems[4 * NBUF:5 * NBUF] + bufsems[5 * NBUF:6 * NBUF]
        wid = lax.axis_index("s") * NUM_CORES + lax.axis_index("c")
        base = wid * ROWS_PER_W
        pltpu.sync_copy(i0_hbm.at[pl.ds(base, ROWS_PER_W)], idx0_v)
        pltpu.sync_copy(i1_hbm.at[pl.ds(base, ROWS_PER_W)], idx1_v)

        streams = (
            (w0_hbm, idx0_v, o0_hbm, bufs[:NBUF], gsems[:NBUF], osems[:NBUF]),
            (w1_hbm, idx1_v, o1_hbm, bufs[NBUF:], gsems[NBUF:], osems[NBUF:]),
        )

        def startg(w, idx, buf, gsem, i):
            pltpu.async_copy(w.at[idx.at[pl.ds(i * CHUNK, CHUNK)]], buf, gsem)

        def waitg(w, buf, gsem):
            pltpu.make_async_copy(w.at[pl.ds(0, CHUNK)], buf, gsem).wait()

        def starto(o, buf, osem, i):
            pltpu.async_copy(buf, o.at[pl.ds(base + i * CHUNK, CHUNK)], osem)

        def waito(o, buf, osem):
            pltpu.make_async_copy(buf, o.at[pl.ds(0, CHUNK)], osem).wait()

        for w, idx, o, sbufs, sgsems, sosems in streams:
            startg(w, idx, sbufs[0], sgsems[0], 0)
            startg(w, idx, sbufs[1], sgsems[1], 1)

            def step(k, _, w=w, idx=idx, o=o, sbufs=sbufs,
                     sgsems=sgsems, sosems=sosems):
                for b in range(NBUF):
                    i = NBUF * k + b
                    sn = (b + 2) % NBUF

                    @pl.when(i < NCHUNK)
                    def _():

                        @pl.when(i + 2 < NCHUNK)
                        def _():

                            @pl.when(i >= 1)
                            def _():
                                waito(o, sbufs[sn], sosems[sn])

                            startg(w, idx, sbufs[sn], sgsems[sn], i + 2)

                        waitg(w, sbufs[b], sgsems[b])
                        starto(o, sbufs[b], sosems[b], i)
                return 0

            lax.fori_loop(0, (NCHUNK + NBUF - 1) // NBUF, step, 0)

            for i in range(NCHUNK - NBUF, NCHUNK):
                waito(o, sbufs[i % NBUF], sosems[i % NBUF])

    return body(W0, W1, src0_flat, src1_flat)


BB = 32


def _ln(x, g, bta):
    mean = jnp.sum(x, axis=-1) * (1.0 / D)
    xm = x - mean[..., None]
    var = jnp.sum(xm * xm, axis=-1) * (1.0 / (D - 1))
    inv = lax.rsqrt(jnp.maximum(var, 1e-30))
    return xm * (inv[..., None] * g) + bta


def _ln_kernel(raw0_ref, raw1_ref, seg_ref, posseg_ref,
               g0_ref, b0_ref, g1_ref, b1_ref, o0_ref, o1_ref):
    o0_ref[...] = _ln(raw0_ref[...], g0_ref[...], b0_ref[...])
    seg = seg_ref[...][..., None]
    ps = posseg_ref[...]
    x1 = raw1_ref[...] + jnp.where(
        seg == 0, ps[0], jnp.where(seg == 1, ps[1], ps[2]))
    o1_ref[...] = _ln(x1, g1_ref[...], b1_ref[...])


_BLK = pl.BlockSpec((BB, S, D), lambda i: (i, 0, 0))
_VEC = pl.BlockSpec((1, D), lambda i: (0, 0))


def _ln_call(raw0, raw1, seg_1, posseg,
             gamma0, beta0, gamma1, beta1):
    return pl.pallas_call(
        _ln_kernel,
        grid=(B // BB,),
        in_specs=[
            _BLK,
            _BLK,
            pl.BlockSpec((BB, S), lambda i: (i, 0)),
            pl.BlockSpec((3, S, D), lambda i: (0, 0, 0)),
            _VEC, _VEC, _VEC, _VEC,
        ],
        out_specs=[_BLK, _BLK],
        out_shape=[
            jax.ShapeDtypeStruct((B, S, D), jnp.float32),
            jax.ShapeDtypeStruct((B, S, D), jnp.float32),
        ],
    )(raw0, raw1, seg_1, posseg, gamma0, beta0, gamma1, beta1)


def kernel(src_0, src_1, seg_0, seg_1, W0, gamma0, beta0, W1, pos_table,
           seg_table, gamma1, beta1):
    src0_flat = src_0.reshape(N).astype(jnp.int32)
    src1_flat = src_1.reshape(N).astype(jnp.int32)
    raw0, raw1 = _dual_gather(src0_flat, src1_flat, W0, W1)
    posseg = pos_table[:S][None, :, :] + seg_table[:, None, :]
    e0, e1 = _ln_call(
        raw0.reshape(B, S, D), raw1.reshape(B, S, D),
        seg_1.astype(jnp.int32), posseg,
        gamma0.reshape(1, D), beta0.reshape(1, D),
        gamma1.reshape(1, D), beta1.reshape(1, D))
    return (e0, e1)

# --- scband reference (transcript-rebuilt; emitter-appended) ---
"""Pipeline reference for scband-dual-embedding-86517821214804 (READ-ONLY COPY).

The authoritative reference and input builder live on the scoring server;
editing this copy changes nothing except your own understanding.
"""

import jax, jax.numpy as jnp
import numpy as np

VOCAB = 100000
D = 128
B = 1024
S = 200
MAX_SEQ = 512
EPS = 1e-6


def layer_norm(x, gamma, beta):
    # Faithful to the torch LayerNorm in the module: uses std (unbiased, ddof=1)
    # and divides by (std + eps), NOT sqrt(var + eps).
    mean = jnp.mean(x, axis=-1, keepdims=True)
    std = jnp.std(x, axis=-1, keepdims=True, ddof=1)
    return gamma * (x - mean) / (std + EPS) + beta


def setup_inputs(seed: int = 0) -> dict:
    key = jax.random.key(seed)
    ks = jax.random.split(key, 8)
    src_0 = jax.random.randint(ks[0], (B, S), 0, VOCAB, dtype=jnp.int64 if jax.config.jax_enable_x64 else jnp.int32)
    src_1 = jax.random.randint(ks[1], (B, S), 0, VOCAB, dtype=jnp.int64 if jax.config.jax_enable_x64 else jnp.int32)
    seg_0 = jax.random.randint(ks[2], (B, S), 0, 3)
    seg_1 = jax.random.randint(ks[3], (B, S), 0, 3)
    W0 = jax.random.normal(ks[4], (VOCAB, D), dtype=jnp.float32) * 0.02
    W1 = jax.random.normal(ks[5], (VOCAB, D), dtype=jnp.float32) * 0.02
    pos_table = jax.random.normal(ks[6], (MAX_SEQ, D), dtype=jnp.float32) * 0.02
    seg_table = jax.random.normal(ks[7], (3, D), dtype=jnp.float32) * 0.02
    gamma0 = jnp.ones((D,), dtype=jnp.float32)
    beta0 = jnp.zeros((D,), dtype=jnp.float32)
    gamma1 = jnp.ones((D,), dtype=jnp.float32)
    beta1 = jnp.zeros((D,), dtype=jnp.float32)
    return {
        "src_0": src_0, "src_1": src_1, "seg_0": seg_0, "seg_1": seg_1,
        "W0": W0, "gamma0": gamma0, "beta0": beta0,
        "W1": W1, "pos_table": pos_table, "seg_table": seg_table,
        "gamma1": gamma1, "beta1": beta1,
    }


def reference(src_0, src_1, seg_0, seg_1, W0, gamma0, beta0, W1, pos_table, seg_table, gamma1, beta1):
    # DualEmbedding with stream_0 = WordEmbedding, stream_1 = WordPosSegEmbedding.
    # Dropout prob is 0.0 (eval) -> identity.
    # stream 0: word embedding + layernorm (seg_0 ignored, as in WordEmbedding.forward)
    emb_0 = jnp.take(W0, src_0, axis=0)
    emb_0 = layer_norm(emb_0, gamma0, beta0)
    # stream 1: word + position + segment embeddings + layernorm
    word_emb = jnp.take(W1, src_1, axis=0)
    pos_emb = jnp.take(pos_table, jnp.arange(S), axis=0)[None, :, :]
    seg_emb = jnp.take(seg_table, seg_1, axis=0)
    emb_1 = layer_norm(word_emb + pos_emb + seg_emb, gamma1, beta1)
    return (emb_0, emb_1)

if __name__ == "__main__":
    import jax
    _d = setup_inputs()
    print(jax.jit(kernel)(*tuple(_d.values())))

</pallas_src>

<mosaic_0001>
#map = affine_map<(d0, d1) -> (0, 0)>
#map1 = affine_map<(d0, d1) -> (0)>
module attributes {stable_mosaic.version = 14 : i64} {
  func.func @body(%arg0: i32, %arg1: i32, %arg2: memref<100000x128xf32, #tpu.memory_space<hbm>>, %arg3: memref<100000x128xf32, #tpu.memory_space<hbm>>, %arg4: memref<204800xi32, #tpu.memory_space<hbm>>, %arg5: memref<204800xi32, #tpu.memory_space<hbm>>, %arg6: memref<204800x128xf32, #tpu.memory_space<hbm>>, %arg7: memref<204800x128xf32, #tpu.memory_space<hbm>>, %arg8: memref<6400xi32, #tpu.memory_space<vmem>>, %arg9: memref<6400xi32, #tpu.memory_space<vmem>>, %arg10: memref<128x128xf32, #tpu.memory_space<vmem>>, %arg11: memref<128x128xf32, #tpu.memory_space<vmem>>, %arg12: memref<128x128xf32, #tpu.memory_space<vmem>>, %arg13: memref<128x128xf32, #tpu.memory_space<vmem>>, %arg14: memref<128x128xf32, #tpu.memory_space<vmem>>, %arg15: memref<128x128xf32, #tpu.memory_space<vmem>>, %arg16: memref<!tpu.dma_semaphore, #tpu.memory_space<semaphore_mem>>, %arg17: memref<!tpu.dma_semaphore, #tpu.memory_space<semaphore_mem>>, %arg18: memref<!tpu.dma_semaphore, #tpu.memory_space<semaphore_mem>>, %arg19: memref<!tpu.dma_semaphore, #tpu.memory_space<semaphore_mem>>, %arg20: memref<!tpu.dma_semaphore, #tpu.memory_space<semaphore_mem>>, %arg21: memref<!tpu.dma_semaphore, #tpu.memory_space<semaphore_mem>>, %arg22: memref<!tpu.dma_semaphore, #tpu.memory_space<semaphore_mem>>, %arg23: memref<!tpu.dma_semaphore, #tpu.memory_space<semaphore_mem>>, %arg24: memref<!tpu.dma_semaphore, #tpu.memory_space<semaphore_mem>>, %arg25: memref<!tpu.dma_semaphore, #tpu.memory_space<semaphore_mem>>, %arg26: memref<!tpu.dma_semaphore, #tpu.memory_space<semaphore_mem>>, %arg27: memref<!tpu.dma_semaphore, #tpu.memory_space<semaphore_mem>>) attributes {dimension_semantics = [#tpu.dimension_semantics<core_parallel>, #tpu.dimension_semantics<subcore_parallel>], iteration_bounds = array<i64: 2, 16>, scalar_prefetch = 0 : i64, scratch_operands = 20 : i64, tpu.core_type = #tpu.core_type<sc_vector_subcore>, window_params = [{transform_indices = #map}, {transform_indices = #map}, {transform_indices = #map1}, {transform_indices = #map1}, {transform_indices = #map}, {transform_indices = #map}]} {
    %mul3A = arith.constant 2 : i32
    %mul3A_0 = arith.muli %arg1, %mul3A : i32
    %add3A = arith.addi %mul3A_0, %arg0 : i32
    %mul3A_1 = arith.constant 6400 : i32
    %mul3A_2 = arith.muli %add3A, %mul3A_1 : i32
    "tpu.region"() ({
      %run_scoped3A = tpu.sem_alloc : memref<!tpu.dma_semaphore, #tpu.memory_space<semaphore_mem>>
      %dma_start3A_70 = tpu.memref_slice %arg4[%mul3A_2] : memref<204800xi32, #tpu.memory_space<hbm>> -> memref<6400xi32, #tpu.memory_space<hbm>>
      %dma_start3A_71 = tpu.memref_slice %arg4[%mul3A_2] : memref<204800xi32, #tpu.memory_space<hbm>> -> memref<6400xi32, #tpu.memory_space<hbm>>
      tpu.enqueue_dma source(%dma_start3A_71 : memref<6400xi32, #tpu.memory_space<hbm>>) target(%arg8 : memref<6400xi32, #tpu.memory_space<vmem>>) target_semaphore(%run_scoped3A : memref<!tpu.dma_semaphore, #tpu.memory_space<semaphore_mem>>)
      %dma_wait3A_72 = tpu.memref_slice %arg4[%mul3A_2] : memref<204800xi32, #tpu.memory_space<hbm>> -> memref<6400xi32, #tpu.memory_space<hbm>>
      %dma_wait3A_73 = tpu.memref_slice %arg4[%mul3A_2] : memref<204800xi32, #tpu.memory_space<hbm>> -> memref<6400xi32, #tpu.memory_space<hbm>>
      tpu.wait_dma2 semaphore(%run_scoped3A : memref<!tpu.dma_semaphore, #tpu.memory_space<semaphore_mem>>) src(%dma_wait3A_73 : memref<6400xi32, #tpu.memory_space<hbm>>) dst(%arg8 : memref<6400xi32, #tpu.memory_space<vmem>>)
      tpu.yield
    }) : () -> ()
    "tpu.region"() ({
      %run_scoped3A = tpu.sem_alloc : memref<!tpu.dma_semaphore, #tpu.memory_space<semaphore_mem>>
      %dma_start3A_70 = tpu.memref_slice %arg5[%mul3A_2] : memref<204800xi32, #tpu.memory_space<hbm>> -> memref<6400xi32, #tpu.memory_space<hbm>>
      %dma_start3A_71 = tpu.memref_slice %arg5[%mul3A_2] : memref<204800xi32, #tpu.memory_space<hbm>> -> memref<6400xi32, #tpu.memory_space<hbm>>
      tpu.enqueue_dma source(%dma_start3A_71 : memref<6400xi32, #tpu.memory_space<hbm>>) target(%arg9 : memref<6400xi32, #tpu.memory_space<vmem>>) target_semaphore(%run_scoped3A : memref<!tpu.dma_semaphore, #tpu.memory_space<semaphore_mem>>)
      %dma_wait3A_72 = tpu.memref_slice %arg5[%mul3A_2] : memref<204800xi32, #tpu.memory_space<hbm>> -> memref<6400xi32, #tpu.memory_space<hbm>>
      %dma_wait3A_73 = tpu.memref_slice %arg5[%mul3A_2] : memref<204800xi32, #tpu.memory_space<hbm>> -> memref<6400xi32, #tpu.memory_space<hbm>>
      tpu.wait_dma2 semaphore(%run_scoped3A : memref<!tpu.dma_semaphore, #tpu.memory_space<semaphore_mem>>) src(%dma_wait3A_73 : memref<6400xi32, #tpu.memory_space<hbm>>) dst(%arg9 : memref<6400xi32, #tpu.memory_space<vmem>>)
      tpu.yield
    }) : () -> ()
    %dma_start3A = arith.constant 0 : i32
    %dma_start3A_3 = tpu.memref_slice %arg8[%dma_start3A] : memref<6400xi32, #tpu.memory_space<vmem>> -> memref<128xi32, #tpu.memory_space<vmem>>
    %dma_start3A_4 = arith.constant 0 : i32
    %dma_start3A_5 = arith.constant 0 : i32
    %dma_start3A_6 = tpu.memref_slice %arg2[%dma_start3A_4, %dma_start3A_5] : memref<100000x128xf32, #tpu.memory_space<hbm>> -> memref<100000x128xf32, #tpu.memory_space<hbm>>
    tpu.enqueue_indirect_dma source(%dma_start3A_6 : memref<100000x128xf32, #tpu.memory_space<hbm>>) target(%arg10 : memref<128x128xf32, #tpu.memory_space<vmem>>) offsets(%dma_start3A_3 : memref<128xi32, #tpu.memory_space<vmem>>) semaphore(%arg16 : memref<!tpu.dma_semaphore, #tpu.memory_space<semaphore_mem>>)
    %dma_start3A_7 = arith.constant 128 : i32
    %dma_start3A_8 = tpu.memref_slice %arg8[%dma_start3A_7] : memref<6400xi32, #tpu.memory_space<vmem>> -> memref<128xi32, #tpu.memory_space<vmem>>
    %dma_start3A_9 = arith.constant 0 : i32
    %dma_start3A_10 = arith.constant 0 : i32
    %dma_start3A_11 = tpu.memref_slice %arg2[%dma_start3A_9, %dma_start3A_10] : memref<100000x128xf32, #tpu.memory_space<hbm>> -> memref<100000x128xf32, #tpu.memory_space<hbm>>
    tpu.enqueue_indirect_dma source(%dma_start3A_11 : memref<100000x128xf32, #tpu.memory_space<hbm>>) target(%arg11 : memref<128x128xf32, #tpu.memory_space<vmem>>) offsets(%dma_start3A_8 : memref<128xi32, #tpu.memory_space<vmem>>) semaphore(%arg17 : memref<!tpu.dma_semaphore, #tpu.memory_space<semaphore_mem>>)
    %scan3A = arith.constant 0 : i32
    %scan3A_12 = arith.constant 0 : i32
    %scan3A_13 = arith.constant 17 : i32
    %scan3A_14 = arith.addi %scan3A_12, %scan3A_13 : i32
    %scan3A_15 = arith.constant 1 : i32
    %scan3A_16 = scf.for %scan3A_70 = %scan3A_12 to %scan3A_14 step %scan3A_15 iter_args(%scan3A_71 = %scan3A) -> (i32)  : i32 {
      %mul3A_72 = arith.constant 3 : i32
      %mul3A_73 = arith.muli %mul3A_72, %scan3A_70 : i32
      %add3A_74 = arith.constant 0 : i32
      %add3A_75 = arith.addi %mul3A_73, %add3A_74 : i32
      %lt3A = arith.constant 50 : i32
      %lt3A_76 = arith.cmpi slt, %add3A_75, %lt3A : i32
      %convert_element_type3A = arith.extui %lt3A_76 : i1 to i32
      %cond3A = arith.constant 0 : i32
      %cond3A_77 = arith.cmpi ne, %convert_element_type3A, %cond3A : i32
      scf.if %cond3A_77 {
        %add3A_97 = arith.constant 2 : i32
        %add3A_98 = arith.addi %add3A_75, %add3A_97 : i32
        %lt3A_99 = arith.constant 50 : i32
        %lt3A_100 = arith.cmpi slt, %add3A_98, %lt3A_99 : i32
        %convert_element_type3A_101 = arith.extui %lt3A_100 : i1 to i32
        %cond3A_102 = arith.constant 0 : i32
        %cond3A_103 = arith.cmpi ne, %convert_element_type3A_101, %cond3A_102 : i32
        scf.if %cond3A_103 {
          %ge3A = arith.constant 1 : i32
          %ge3A_117 = arith.cmpi sge, %add3A_75, %ge3A : i32
          %convert_element_type3A_118 = arith.extui %ge3A_117 : i1 to i32
          %cond3A_119 = arith.constant 0 : i32
          %cond3A_120 = arith.cmpi ne, %convert_element_type3A_118, %cond3A_119 : i32
          scf.if %cond3A_120 {
            %dma_wait3A_129 = arith.constant 0 : i32
            %dma_wait3A_130 = arith.constant 0 : i32
            %dma_wait3A_131 = tpu.memref_slice %arg6[%dma_wait3A_129, %dma_wait3A_130] : memref<204800x128xf32, #tpu.memory_space<hbm>> -> memref<128x128xf32, #tpu.memory_space<hbm>>
            %dma_wait3A_132 = arith.constant 0 : i32
            %dma_wait3A_133 = arith.constant 0 : i32
            %dma_wait3A_134 = tpu.memref_slice %arg6[%dma_wait3A_132, %dma_wait3A_133] : memref<204800x128xf32, #tpu.memory_space<hbm>> -> memref<128x128xf32, #tpu.memory_space<hbm>>
            tpu.wait_dma2 semaphore(%arg24 : memref<!tpu.dma_semaphore, #tpu.memory_space<semaphore_mem>>) src(%arg12 : memref<128x128xf32, #tpu.memory_space<vmem>>) dst(%dma_wait3A_134 : memref<128x128xf32, #tpu.memory_space<hbm>>)
          } else {
          }
          %add3A_121 = arith.constant 2 : i32
          %add3A_122 = arith.addi %add3A_75, %add3A_121 : i32
          %mul3A_123 = arith.constant 128 : i32
          %mul3A_124 = arith.muli %add3A_122, %mul3A_123 : i32
          %dma_start3A_125 = tpu.memref_slice %arg8[%mul3A_124] : memref<6400xi32, #tpu.memory_space<vmem>> -> memref<128xi32, #tpu.memory_space<vmem>>
          %dma_start3A_126 = arith.constant 0 : i32
          %dma_start3A_127 = arith.constant 0 : i32
          %dma_start3A_128 = tpu.memref_slice %arg2[%dma_start3A_126, %dma_start3A_127] : memref<100000x128xf32, #tpu.memory_space<hbm>> -> memref<100000x128xf32, #tpu.memory_space<hbm>>
          tpu.enqueue_indirect_dma source(%dma_start3A_128 : memref<100000x128xf32, #tpu.memory_space<hbm>>) target(%arg12 : memref<128x128xf32, #tpu.memory_space<vmem>>) offsets(%dma_start3A_125 : memref<128xi32, #tpu.memory_space<vmem>>) semaphore(%arg18 : memref<!tpu.dma_semaphore, #tpu.memory_space<semaphore_mem>>)
        } else {
        }
        %dma_wait3A_104 = arith.constant 0 : i32
        %dma_wait3A_105 = arith.constant 0 : i32
        %dma_wait3A_106 = tpu.memref_slice %arg2[%dma_wait3A_104, %dma_wait3A_105] : memref<100000x128xf32, #tpu.memory_space<hbm>> -> memref<128x128xf32, #tpu.memory_space<hbm>>
        %dma_wait3A_107 = arith.constant 0 : i32
        %dma_wait3A_108 = arith.constant 0 : i32
        %dma_wait3A_109 = tpu.memref_slice %arg2[%dma_wait3A_107, %dma_wait3A_108] : memref<100000x128xf32, #tpu.memory_space<hbm>> -> memref<128x128xf32, #tpu.memory_space<hbm>>
        tpu.wait_dma2 semaphore(%arg16 : memref<!tpu.dma_semaphore, #tpu.memory_space<semaphore_mem>>) src(%dma_wait3A_109 : memref<128x128xf32, #tpu.memory_space<hbm>>) dst(%arg10 : memref<128x128xf32, #tpu.memory_space<vmem>>)
        %mul3A_110 = arith.constant 128 : i32
        %mul3A_111 = arith.muli %add3A_75, %mul3A_110 : i32
        %add3A_112 = arith.addi %mul3A_2, %mul3A_111 : i32
        %dma_start3A_113 = arith.constant 0 : i32
        %dma_start3A_114 = tpu.memref_slice %arg6[%add3A_112, %dma_start3A_113] : memref<204800x128xf32, #tpu.memory_space<hbm>> -> memref<128x128xf32, #tpu.memory_space<hbm>>
        %dma_start3A_115 = arith.constant 0 : i32
        %dma_start3A_116 = tpu.memref_slice %arg6[%add3A_112, %dma_start3A_115] : memref<204800x128xf32, #tpu.memory_space<hbm>> -> memref<128x128xf32, #tpu.memory_space<hbm>>
        tpu.enqueue_dma source(%arg10 : memref<128x128xf32, #tpu.memory_space<vmem>>) target(%dma_start3A_116 : memref<128x128xf32, #tpu.memory_space<hbm>>) target_semaphore(%arg22 : memref<!tpu.dma_semaphore, #tpu.memory_space<semaphore_mem>>)
      } else {
      }
      %mul3A_78 = arith.constant 3 : i32
      %mul3A_79 = arith.muli %mul3A_78, %scan3A_70 : i32
      %add3A_80 = arith.constant 1 : i32
      %add3A_81 = arith.addi %mul3A_79, %add3A_80 : i32
      %lt3A_82 = arith.constant 50 : i32
      %lt3A_83 = arith.cmpi slt, %add3A_81, %lt3A_82 : i32
      %convert_element_type3A_84 = arith.extui %lt3A_83 : i1 to i32
      %cond3A_85 = arith.constant 0 : i32
      %cond3A_86 = arith.cmpi ne, %convert_element_type3A_84, %cond3A_85 : i32
      scf.if %cond3A_86 {
        %add3A_97 = arith.constant 2 : i32
        %add3A_98 = arith.addi %add3A_81, %add3A_97 : i32
        %lt3A_99 = arith.constant 50 : i32
        %lt3A_100 = arith.cmpi slt, %add3A_98, %lt3A_99 : i32
        %convert_element_type3A_101 = arith.extui %lt3A_100 : i1 to i32
        %cond3A_102 = arith.constant 0 : i32
        %cond3A_103 = arith.cmpi ne, %convert_element_type3A_101, %cond3A_102 : i32
        scf.if %cond3A_103 {
          %ge3A = arith.constant 1 : i32
          %ge3A_117 = arith.cmpi sge, %add3A_81, %ge3A : i32
          %convert_element_type3A_118 = arith.extui %ge3A_117 : i1 to i32
          %cond3A_119 = arith.constant 0 : i32
          %cond3A_120 = arith.cmpi ne, %convert_element_type3A_118, %cond3A_119 : i32
          scf.if %cond3A_120 {
            %dma_wait3A_129 = arith.constant 0 : i32
            %dma_wait3A_130 = arith.constant 0 : i32
            %dma_wait3A_131 = tpu.memref_slice %arg6[%dma_wait3A_129, %dma_wait3A_130] : memref<204800x128xf32, #tpu.memory_space<hbm>> -> memref<128x128xf32, #tpu.memory_space<hbm>>
            %dma_wait3A_132 = arith.constant 0 : i32
            %dma_wait3A_133 = arith.constant 0 : i32
            %dma_wait3A_134 = tpu.memref_slice %arg6[%dma_wait3A_132, %dma_wait3A_133] : memref<204800x128xf32, #tpu.memory_space<hbm>> -> memref<128x128xf32, #tpu.memory_space<hbm>>
            tpu.wait_dma2 semaphore(%arg22 : memref<!tpu.dma_semaphore, #tpu.memory_space<semaphore_mem>>) src(%arg10 : memref<128x128xf32, #tpu.memory_space<vmem>>) dst(%dma_wait3A_134 : memref<128x128xf32, #tpu.memory_space<hbm>>)
          } else {
          }
          %add3A_121 = arith.constant 2 : i32
          %add3A_122 = arith.addi %add3A_81, %add3A_121 : i32
          %mul3A_123 = arith.constant 128 : i32
          %mul3A_124 = arith.muli %add3A_122, %mul3A_123 : i32
          %dma_start3A_125 = tpu.memref_slice %arg8[%mul3A_124] : memref<6400xi32, #tpu.memory_space<vmem>> -> memref<128xi32, #tpu.memory_space<vmem>>
          %dma_start3A_126 = arith.constant 0 : i32
          %dma_start3A_127 = arith.constant 0 : i32
          %dma_start3A_128 = tpu.memref_slice %arg2[%dma_start3A_126, %dma_start3A_127] : memref<100000x128xf32, #tpu.memory_space<hbm>> -> memref<100000x128xf32, #tpu.memory_space<hbm>>
          tpu.enqueue_indirect_dma source(%dma_start3A_128 : memref<100000x128xf32, #tpu.memory_space<hbm>>) target(%arg10 : memref<128x128xf32, #tpu.memory_space<vmem>>) offsets(%dma_start3A_125 : memref<128xi32, #tpu.memory_space<vmem>>) semaphore(%arg16 : memref<!tpu.dma_semaphore, #tpu.memory_space<semaphore_mem>>)
        } else {
        }
        %dma_wait3A_104 = arith.constant 0 : i32
        %dma_wait3A_105 = arith.constant 0 : i32
        %dma_wait3A_106 = tpu.memref_slice %arg2[%dma_wait3A_104, %dma_wait3A_105] : memref<100000x128xf32, #tpu.memory_space<hbm>> -> memref<128x128xf32, #tpu.memory_space<hbm>>
        %dma_wait3A_107 = arith.constant 0 : i32
        %dma_wait3A_108 = arith.constant 0 : i32
        %dma_wait3A_109 = tpu.memref_slice %arg2[%dma_wait3A_107, %dma_wait3A_108] : memref<100000x128xf32, #tpu.memory_space<hbm>> -> memref<128x128xf32, #tpu.memory_space<hbm>>
        tpu.wait_dma2 semaphore(%arg17 : memref<!tpu.dma_semaphore, #tpu.memory_space<semaphore_mem>>) src(%dma_wait3A_109 : memref<128x128xf32, #tpu.memory_space<hbm>>) dst(%arg11 : memref<128x128xf32, #tpu.memory_space<vmem>>)
        %mul3A_110 = arith.constant 128 : i32
        %mul3A_111 = arith.muli %add3A_81, %mul3A_110 : i32
        %add3A_112 = arith.addi %mul3A_2, %mul3A_111 : i32
        %dma_start3A_113 = arith.constant 0 : i32
        %dma_start3A_114 = tpu.memref_slice %arg6[%add3A_112, %dma_start3A_113] : memref<204800x128xf32, #tpu.memory_space<hbm>> -> memref<128x128xf32, #tpu.memory_space<hbm>>
        %dma_start3A_115 = arith.constant 0 : i32
        %dma_start3A_116 = tpu.memref_slice %arg6[%add3A_112, %dma_start3A_115] : memref<204800x128xf32, #tpu.memory_space<hbm>> -> memref<128x128xf32, #tpu.memory_space<hbm>>
        tpu.enqueue_dma source(%arg11 : memref<128x128xf32, #tpu.memory_space<vmem>>) target(%dma_start3A_116 : memref<128x128xf32, #tpu.memory_space<hbm>>) target_semaphore(%arg23 : memref<!tpu.dma_semaphore, #tpu.memory_space<semaphore_mem>>)
      } else {
      }
      %mul3A_87 = arith.constant 3 : i32
      %mul3A_88 = arith.muli %mul3A_87, %scan3A_70 : i32
      %add3A_89 = arith.constant 2 : i32
      %add3A_90 = arith.addi %mul3A_88, %add3A_89 : i32
      %lt3A_91 = arith.constant 50 : i32
      %lt3A_92 = arith.cmpi slt, %add3A_90, %lt3A_91 : i32
      %convert_element_type3A_93 = arith.extui %lt3A_92 : i1 to i32
      %cond3A_94 = arith.constant 0 : i32
      %cond3A_95 = arith.cmpi ne, %convert_element_type3A_93, %cond3A_94 : i32
      scf.if %cond3A_95 {
        %add3A_97 = arith.constant 2 : i32
        %add3A_98 = arith.addi %add3A_90, %add3A_97 : i32
        %lt3A_99 = arith.constant 50 : i32
        %lt3A_100 = arith.cmpi slt, %add3A_98, %lt3A_99 : i32
        %convert_element_type3A_101 = arith.extui %lt3A_100 : i1 to i32
        %cond3A_102 = arith.constant 0 : i32
        %cond3A_103 = arith.cmpi ne, %convert_element_type3A_101, %cond3A_102 : i32
        scf.if %cond3A_103 {
          %ge3A = arith.constant 1 : i32
          %ge3A_117 = arith.cmpi sge, %add3A_90, %ge3A : i32
          %convert_element_type3A_118 = arith.extui %ge3A_117 : i1 to i32
          %cond3A_119 = arith.constant 0 : i32
          %cond3A_120 = arith.cmpi ne, %convert_element_type3A_118, %cond3A_119 : i32
          scf.if %cond3A_120 {
            %dma_wait3A_129 = arith.constant 0 : i32
            %dma_wait3A_130 = arith.constant 0 : i32
            %dma_wait3A_131 = tpu.memref_slice %arg6[%dma_wait3A_129, %dma_wait3A_130] : memref<204800x128xf32, #tpu.memory_space<hbm>> -> memref<128x128xf32, #tpu.memory_space<hbm>>
            %dma_wait3A_132 = arith.constant 0 : i32
            %dma_wait3A_133 = arith.constant 0 : i32
            %dma_wait3A_134 = tpu.memref_slice %arg6[%dma_wait3A_132, %dma_wait3A_133] : memref<204800x128xf32, #tpu.memory_space<hbm>> -> memref<128x128xf32, #tpu.memory_space<hbm>>
            tpu.wait_dma2 semaphore(%arg23 : memref<!tpu.dma_semaphore, #tpu.memory_space<semaphore_mem>>) src(%arg11 : memref<128x128xf32, #tpu.memory_space<vmem>>) dst(%dma_wait3A_134 : memref<128x128xf32, #tpu.memory_space<hbm>>)
          } else {
          }
          %add3A_121 = arith.constant 2 : i32
          %add3A_122 = arith.addi %add3A_90, %add3A_121 : i32
          %mul3A_123 = arith.constant 128 : i32
          %mul3A_124 = arith.muli %add3A_122, %mul3A_123 : i32
          %dma_start3A_125 = tpu.memref_slice %arg8[%mul3A_124] : memref<6400xi32, #tpu.memory_space<vmem>> -> memref<128xi32, #tpu.memory_space<vmem>>
          %dma_start3A_126 = arith.constant 0 : i32
          %dma_start3A_127 = arith.constant 0 : i32
          %dma_start3A_128 = tpu.memref_slice %arg2[%dma_start3A_126, %dma_start3A_127] : memref<100000x128xf32, #tpu.memory_space<hbm>> -> memref<100000x128xf32, #tpu.memory_space<hbm>>
          tpu.enqueue_indirect_dma source(%dma_start3A_128 : memref<100000x128xf32, #tpu.memory_space<hbm>>) target(%arg11 : memref<128x128xf32, #tpu.memory_space<vmem>>) offsets(%dma_start3A_125 : memref<128xi32, #tpu.memory_space<vmem>>) semaphore(%arg17 : memref<!tpu.dma_semaphore, #tpu.memory_space<semaphore_mem>>)
        } else {
        }
        %dma_wait3A_104 = arith.constant 0 : i32
        %dma_wait3A_105 = arith.constant 0 : i32
        %dma_wait3A_106 = tpu.memref_slice %arg2[%dma_wait3A_104, %dma_wait3A_105] : memref<100000x128xf32, #tpu.memory_space<hbm>> -> memref<128x128xf32, #tpu.memory_space<hbm>>
        %dma_wait3A_107 = arith.constant 0 : i32
        %dma_wait3A_108 = arith.constant 0 : i32
        %dma_wait3A_109 = tpu.memref_slice %arg2[%dma_wait3A_107, %dma_wait3A_108] : memref<100000x128xf32, #tpu.memory_space<hbm>> -> memref<128x128xf32, #tpu.memory_space<hbm>>
        tpu.wait_dma2 semaphore(%arg18 : memref<!tpu.dma_semaphore, #tpu.memory_space<semaphore_mem>>) src(%dma_wait3A_109 : memref<128x128xf32, #tpu.memory_space<hbm>>) dst(%arg12 : memref<128x128xf32, #tpu.memory_space<vmem>>)
        %mul3A_110 = arith.constant 128 : i32
        %mul3A_111 = arith.muli %add3A_90, %mul3A_110 : i32
        %add3A_112 = arith.addi %mul3A_2, %mul3A_111 : i32
        %dma_start3A_113 = arith.constant 0 : i32
        %dma_start3A_114 = tpu.memref_slice %arg6[%add3A_112, %dma_start3A_113] : memref<204800x128xf32, #tpu.memory_space<hbm>> -> memref<128x128xf32, #tpu.memory_space<hbm>>
        %dma_start3A_115 = arith.constant 0 : i32
        %dma_start3A_116 = tpu.memref_slice %arg6[%add3A_112, %dma_start3A_115] : memref<204800x128xf32, #tpu.memory_space<hbm>> -> memref<128x128xf32, #tpu.memory_space<hbm>>
        tpu.enqueue_dma source(%arg12 : memref<128x128xf32, #tpu.memory_space<vmem>>) target(%dma_start3A_116 : memref<128x128xf32, #tpu.memory_space<hbm>>) target_semaphore(%arg24 : memref<!tpu.dma_semaphore, #tpu.memory_space<semaphore_mem>>)
      } else {
      }
      %scan3A_96 = arith.constant 0 : i32
      scf.yield %scan3A_96 : i32
    }
    %scan3A_17 = arith.constant 17 : i32
    %dma_wait3A = arith.constant 0 : i32
    %dma_wait3A_18 = arith.constant 0 : i32
    %dma_wait3A_19 = tpu.memref_slice %arg6[%dma_wait3A, %dma_wait3A_18] : memref<204800x128xf32, #tpu.memory_space<hbm>> -> memref<128x128xf32, #tpu.memory_space<hbm>>
    %dma_wait3A_20 = arith.constant 0 : i32
    %dma_wait3A_21 = arith.constant 0 : i32
    %dma_wait3A_22 = tpu.memref_slice %arg6[%dma_wait3A_20, %dma_wait3A_21] : memref<204800x128xf32, #tpu.memory_space<hbm>> -> memref<128x128xf32, #tpu.memory_space<hbm>>
    tpu.wait_dma2 semaphore(%arg24 : memref<!tpu.dma_semaphore, #tpu.memory_space<semaphore_mem>>) src(%arg12 : memref<128x128xf32, #tpu.memory_space<vmem>>) dst(%dma_wait3A_22 : memref<128x128xf32, #tpu.memory_space<hbm>>)
    %dma_wait3A_23 = arith.constant 0 : i32
    %dma_wait3A_24 = arith.constant 0 : i32
    %dma_wait3A_25 = tpu.memref_slice %arg6[%dma_wait3A_23, %dma_wait3A_24] : memref<204800x128xf32, #tpu.memory_space<hbm>> -> memref<128x128xf32, #tpu.memory_space<hbm>>
    %dma_wait3A_26 = arith.constant 0 : i32
    %dma_wait3A_27 = arith.constant 0 : i32
    %dma_wait3A_28 = tpu.memref_slice %arg6[%dma_wait3A_26, %dma_wait3A_27] : memref<204800x128xf32, #tpu.memory_space<hbm>> -> memref<128x128xf32, #tpu.memory_space<hbm>>
    tpu.wait_dma2 semaphore(%arg22 : memref<!tpu.dma_semaphore, #tpu.memory_space<semaphore_mem>>) src(%arg10 : memref<128x128xf32, #tpu.memory_space<vmem>>) dst(%dma_wait3A_28 : memref<128x128xf32, #tpu.memory_space<hbm>>)
    %dma_wait3A_29 = arith.constant 0 : i32
    %dma_wait3A_30 = arith.constant 0 : i32
    %dma_wait3A_31 = tpu.memref_slice %arg6[%dma_wait3A_29, %dma_wait3A_30] : memref<204800x128xf32, #tpu.memory_space<hbm>> -> memref<128x128xf32, #tpu.memory_space<hbm>>
    %dma_wait3A_32 = arith.constant 0 : i32
    %dma_wait3A_33 = arith.constant 0 : i32
    %dma_wait3A_34 = tpu.memref_slice %arg6[%dma_wait3A_32, %dma_wait3A_33] : memref<204800x128xf32, #tpu.memory_space<hbm>> -> memref<128x128xf32, #tpu.memory_space<hbm>>
    tpu.wait_dma2 semaphore(%arg23 : memref<!tpu.dma_semaphore, #tpu.memory_space<semaphore_mem>>) src(%arg11 : memref<128x128xf32, #tpu.memory_space<vmem>>) dst(%dma_wait3A_34 : memref<128x128xf32, #tpu.memory_space<hbm>>)
    %dma_start3A_35 = arith.constant 0 : i32
    %dma_start3A_36 = tpu.memref_slice %arg9[%dma_start3A_35] : memref<6400xi32, #tpu.memory_space<vmem>> -> memref<128xi32, #tpu.memory_space<vmem>>
    %dma_start3A_37 = arith.constant 0 : i32
    %dma_start3A_38 = arith.constant 0 : i32
    %dma_start3A_39 = tpu.memref_slice %arg3[%dma_start3A_37, %dma_start3A_38] : memref<100000x128xf32, #tpu.memory_space<hbm>> -> memref<100000x128xf32, #tpu.memory_space<hbm>>
    tpu.enqueue_indirect_dma source(%dma_start3A_39 : memref<100000x128xf32, #tpu.memory_space<hbm>>) target(%arg13 : memref<128x128xf32, #tpu.memory_space<vmem>>) offsets(%dma_start3A_36 : memref<128xi32, #tpu.memory_space<vmem>>) semaphore(%arg19 : memref<!tpu.dma_semaphore, #tpu.memory_space<semaphore_mem>>)
    %dma_start3A_40 = arith.constant 128 : i32
    %dma_start3A_41 = tpu.memref_slice %arg9[%dma_start3A_40] : memref<6400xi32, #tpu.memory_space<vmem>> -> memref<128xi32, #tpu.memory_space<vmem>>
    %dma_start3A_42 = arith.constant 0 : i32
    %dma_start3A_43 = arith.constant 0 : i32
    %dma_start3A_44 = tpu.memref_slice %arg3[%dma_start3A_42, %dma_start3A_43] : memref<100000x128xf32, #tpu.memory_space<hbm>> -> memref<100000x128xf32, #tpu.memory_space<hbm>>
    tpu.enqueue_indirect_dma source(%dma_start3A_44 : memref<100000x128xf32, #tpu.memory_space<hbm>>) target(%arg14 : memref<128x128xf32, #tpu.memory_space<vmem>>) offsets(%dma_start3A_41 : memref<128xi32, #tpu.memory_space<vmem>>) semaphore(%arg20 : memref<!tpu.dma_semaphore, #tpu.memory_space<semaphore_mem>>)
    %scan3A_45 = arith.constant 0 : i32
    %scan3A_46 = arith.constant 0 : i32
    %scan3A_47 = arith.constant 17 : i32
    %scan3A_48 = arith.addi %scan3A_46, %scan3A_47 : i32
    %scan3A_49 = arith.constant 1 : i32
    %scan3A_50 = scf.for %scan3A_70 = %scan3A_46 to %scan3A_48 step %scan3A_49 iter_args(%scan3A_71 = %scan3A_45) -> (i32)  : i32 {
      %mul3A_72 = arith.constant 3 : i32
      %mul3A_73 = arith.muli %mul3A_72, %scan3A_70 : i32
      %add3A_74 = arith.constant 0 : i32
      %add3A_75 = arith.addi %mul3A_73, %add3A_74 : i32
      %lt3A = arith.constant 50 : i32
      %lt3A_76 = arith.cmpi slt, %add3A_75, %lt3A : i32
      %convert_element_type3A = arith.extui %lt3A_76 : i1 to i32
      %cond3A = arith.constant 0 : i32
      %cond3A_77 = arith.cmpi ne, %convert_element_type3A, %cond3A : i32
      scf.if %cond3A_77 {
        %add3A_97 = arith.constant 2 : i32
        %add3A_98 = arith.addi %add3A_75, %add3A_97 : i32
        %lt3A_99 = arith.constant 50 : i32
        %lt3A_100 = arith.cmpi slt, %add3A_98, %lt3A_99 : i32
        %convert_element_type3A_101 = arith.extui %lt3A_100 : i1 to i32
        %cond3A_102 = arith.constant 0 : i32
        %cond3A_103 = arith.cmpi ne, %convert_element_type3A_101, %cond3A_102 : i32
        scf.if %cond3A_103 {
          %ge3A = arith.constant 1 : i32
          %ge3A_117 = arith.cmpi sge, %add3A_75, %ge3A : i32
          %convert_element_type3A_118 = arith.extui %ge3A_117 : i1 to i32
          %cond3A_119 = arith.constant 0 : i32
          %cond3A_120 = arith.cmpi ne, %convert_element_type3A_118, %cond3A_119 : i32
          scf.if %cond3A_120 {
            %dma_wait3A_129 = arith.constant 0 : i32
            %dma_wait3A_130 = arith.constant 0 : i32
            %dma_wait3A_131 = tpu.memref_slice %arg7[%dma_wait3A_129, %dma_wait3A_130] : memref<204800x128xf32, #tpu.memory_space<hbm>> -> memref<128x128xf32, #tpu.memory_space<hbm>>
            %dma_wait3A_132 = arith.constant 0 : i32
            %dma_wait3A_133 = arith.constant 0 : i32
            %dma_wait3A_134 = tpu.memref_slice %arg7[%dma_wait3A_132, %dma_wait3A_133] : memref<204800x128xf32, #tpu.memory_space<hbm>> -> memref<128x128xf32, #tpu.memory_space<hbm>>
            tpu.wait_dma2 semaphore(%arg27 : memref<!tpu.dma_semaphore, #tpu.memory_space<semaphore_mem>>) src(%arg15 : memref<128x128xf32, #tpu.memory_space<vmem>>) dst(%dma_wait3A_134 : memref<128x128xf32, #tpu.memory_space<hbm>>)
          } else {
          }
          %add3A_121 = arith.constant 2 : i32
          %add3A_122 = arith.addi %add3A_75, %add3A_121 : i32
          %mul3A_123 = arith.constant 128 : i32
          %mul3A_124 = arith.muli %add3A_122, %mul3A_123 : i32
          %dma_start3A_125 = tpu.memref_slice %arg9[%mul3A_124] : memref<6400xi32, #tpu.memory_space<vmem>> -> memref<128xi32, #tpu.memory_space<vmem>>
          %dma_start3A_126 = arith.constant 0 : i32
          %dma_start3A_127 = arith.constant 0 : i32
          %dma_start3A_128 = tpu.memref_slice %arg3[%dma_start3A_126, %dma_start3A_127] : memref<100000x128xf32, #tpu.memory_space<hbm>> -> memref<100000x128xf32, #tpu.memory_space<hbm>>
          tpu.enqueue_indirect_dma source(%dma_start3A_128 : memref<100000x128xf32, #tpu.memory_space<hbm>>) target(%arg15 : memref<128x128xf32, #tpu.memory_space<vmem>>) offsets(%dma_start3A_125 : memref<128xi32, #tpu.memory_space<vmem>>) semaphore(%arg21 : memref<!tpu.dma_semaphore, #tpu.memory_space<semaphore_mem>>)
        } else {
        }
        %dma_wait3A_104 = arith.constant 0 : i32
        %dma_wait3A_105 = arith.constant 0 : i32
        %dma_wait3A_106 = tpu.memref_slice %arg3[%dma_wait3A_104, %dma_wait3A_105] : memref<100000x128xf32, #tpu.memory_space<hbm>> -> memref<128x128xf32, #tpu.memory_space<hbm>>
        %dma_wait3A_107 = arith.constant 0 : i32
        %dma_wait3A_108 = arith.constant 0 : i32
        %dma_wait3A_109 = tpu.memref_slice %arg3[%dma_wait3A_107, %dma_wait3A_108] : memref<100000x128xf32, #tpu.memory_space<hbm>> -> memref<128x128xf32, #tpu.memory_space<hbm>>
        tpu.wait_dma2 semaphore(%arg19 : memref<!tpu.dma_semaphore, #tpu.memory_space<semaphore_mem>>) src(%dma_wait3A_109 : memref<128x128xf32, #tpu.memory_space<hbm>>) dst(%arg13 : memref<128x128xf32, #tpu.memory_space<vmem>>)
        %mul3A_110 = arith.constant 128 : i32
        %mul3A_111 = arith.muli %add3A_75, %mul3A_110 : i32
        %add3A_112 = arith.addi %mul3A_2, %mul3A_111 : i32
        %dma_start3A_113 = arith.constant 0 : i32
        %dma_start3A_114 = tpu.memref_slice %arg7[%add3A_112, %dma_start3A_113] : memref<204800x128xf32, #tpu.memory_space<hbm>> -> memref<128x128xf32, #tpu.memory_space<hbm>>
        %dma_start3A_115 = arith.constant 0 : i32
        %dma_start3A_116 = tpu.memref_slice %arg7[%add3A_112, %dma_start3A_115] : memref<204800x128xf32, #tpu.memory_space<hbm>> -> memref<128x128xf32, #tpu.memory_space<hbm>>
        tpu.enqueue_dma source(%arg13 : memref<128x128xf32, #tpu.memory_space<vmem>>) target(%dma_start3A_116 : memref<128x128xf32, #tpu.memory_space<hbm>>) target_semaphore(%arg25 : memref<!tpu.dma_semaphore, #tpu.memory_space<semaphore_mem>>)
      } else {
      }
      %mul3A_78 = arith.constant 3 : i32
      %mul3A_79 = arith.muli %mul3A_78, %scan3A_70 : i32
      %add3A_80 = arith.constant 1 : i32
      %add3A_81 = arith.addi %mul3A_79, %add3A_80 : i32
      %lt3A_82 = arith.constant 50 : i32
      %lt3A_83 = arith.cmpi slt, %add3A_81, %lt3A_82 : i32
      %convert_element_type3A_84 = arith.extui %lt3A_83 : i1 to i32
      %cond3A_85 = arith.constant 0 : i32
      %cond3A_86 = arith.cmpi ne, %convert_element_type3A_84, %cond3A_85 : i32
      scf.if %cond3A_86 {
        %add3A_97 = arith.constant 2 : i32
        %add3A_98 = arith.addi %add3A_81, %add3A_97 : i32
        %lt3A_99 = arith.constant 50 : i32
        %lt3A_100 = arith.cmpi slt, %add3A_98, %lt3A_99 : i32
        %convert_element_type3A_101 = arith.extui %lt3A_100 : i1 to i32
        %cond3A_102 = arith.constant 0 : i32
        %cond3A_103 = arith.cmpi ne, %convert_element_type3A_101, %cond3A_102 : i32
        scf.if %cond3A_103 {
          %ge3A = arith.constant 1 : i32
          %ge3A_117 = arith.cmpi sge, %add3A_81, %ge3A : i32
          %convert_element_type3A_118 = arith.extui %ge3A_117 : i1 to i32
          %cond3A_119 = arith.constant 0 : i32
          %cond3A_120 = arith.cmpi ne, %convert_element_type3A_118, %cond3A_119 : i32
          scf.if %cond3A_120 {
            %dma_wait3A_129 = arith.constant 0 : i32
            %dma_wait3A_130 = arith.constant 0 : i32
            %dma_wait3A_131 = tpu.memref_slice %arg7[%dma_wait3A_129, %dma_wait3A_130] : memref<204800x128xf32, #tpu.memory_space<hbm>> -> memref<128x128xf32, #tpu.memory_space<hbm>>
            %dma_wait3A_132 = arith.constant 0 : i32
            %dma_wait3A_133 = arith.constant 0 : i32
            %dma_wait3A_134 = tpu.memref_slice %arg7[%dma_wait3A_132, %dma_wait3A_133] : memref<204800x128xf32, #tpu.memory_space<hbm>> -> memref<128x128xf32, #tpu.memory_space<hbm>>
            tpu.wait_dma2 semaphore(%arg25 : memref<!tpu.dma_semaphore, #tpu.memory_space<semaphore_mem>>) src(%arg13 : memref<128x128xf32, #tpu.memory_space<vmem>>) dst(%dma_wait3A_134 : memref<128x128xf32, #tpu.memory_space<hbm>>)
          } else {
          }
          %add3A_121 = arith.constant 2 : i32
          %add3A_122 = arith.addi %add3A_81, %add3A_121 : i32
          %mul3A_123 = arith.constant 128 : i32
          %mul3A_124 = arith.muli %add3A_122, %mul3A_123 : i32
          %dma_start3A_125 = tpu.memref_slice %arg9[%mul3A_124] : memref<6400xi32, #tpu.memory_space<vmem>> -> memref<128xi32, #tpu.memory_space<vmem>>
          %dma_start3A_126 = arith.constant 0 : i32
          %dma_start3A_127 = arith.constant 0 : i32
          %dma_start3A_128 = tpu.memref_slice %arg3[%dma_start3A_126, %dma_start3A_127] : memref<100000x128xf32, #tpu.memory_space<hbm>> -> memref<100000x128xf32, #tpu.memory_space<hbm>>
          tpu.enqueue_indirect_dma source(%dma_start3A_128 : memref<100000x128xf32, #tpu.memory_space<hbm>>) target(%arg13 : memref<128x128xf32, #tpu.memory_space<vmem>>) offsets(%dma_start3A_125 : memref<128xi32, #tpu.memory_space<vmem>>) semaphore(%arg19 : memref<!tpu.dma_semaphore, #tpu.memory_space<semaphore_mem>>)
        } else {
        }
        %dma_wait3A_104 = arith.constant 0 : i32
        %dma_wait3A_105 = arith.constant 0 : i32
        %dma_wait3A_106 = tpu.memref_slice %arg3[%dma_wait3A_104, %dma_wait3A_105] : memref<100000x128xf32, #tpu.memory_space<hbm>> -> memref<128x128xf32, #tpu.memory_space<hbm>>
        %dma_wait3A_107 = arith.constant 0 : i32
        %dma_wait3A_108 = arith.constant 0 : i32
        %dma_wait3A_109 = tpu.memref_slice %arg3[%dma_wait3A_107, %dma_wait3A_108] : memref<100000x128xf32, #tpu.memory_space<hbm>> -> memref<128x128xf32, #tpu.memory_space<hbm>>
        tpu.wait_dma2 semaphore(%arg20 : memref<!tpu.dma_semaphore, #tpu.memory_space<semaphore_mem>>) src(%dma_wait3A_109 : memref<128x128xf32, #tpu.memory_space<hbm>>) dst(%arg14 : memref<128x128xf32, #tpu.memory_space<vmem>>)
        %mul3A_110 = arith.constant 128 : i32
        %mul3A_111 = arith.muli %add3A_81, %mul3A_110 : i32
        %add3A_112 = arith.addi %mul3A_2, %mul3A_111 : i32
        %dma_start3A_113 = arith.constant 0 : i32
        %dma_start3A_114 = tpu.memref_slice %arg7[%add3A_112, %dma_start3A_113] : memref<204800x128xf32, #tpu.memory_space<hbm>> -> memref<128x128xf32, #tpu.memory_space<hbm>>
        %dma_start3A_115 = arith.constant 0 : i32
        %dma_start3A_116 = tpu.memref_slice %arg7[%add3A_112, %dma_start3A_115] : memref<204800x128xf32, #tpu.memory_space<hbm>> -> memref<128x128xf32, #tpu.memory_space<hbm>>
        tpu.enqueue_dma source(%arg14 : memref<128x128xf32, #tpu.memory_space<vmem>>) target(%dma_start3A_116 : memref<128x128xf32, #tpu.memory_space<hbm>>) target_semaphore(%arg26 : memref<!tpu.dma_semaphore, #tpu.memory_space<semaphore_mem>>)
      } else {
      }
      %mul3A_87 = arith.constant 3 : i32
      %mul3A_88 = arith.muli %mul3A_87, %scan3A_70 : i32
      %add3A_89 = arith.constant 2 : i32
      %add3A_90 = arith.addi %mul3A_88, %add3A_89 : i32
      %lt3A_91 = arith.constant 50 : i32
      %lt3A_92 = arith.cmpi slt, %add3A_90, %lt3A_91 : i32
      %convert_element_type3A_93 = arith.extui %lt3A_92 : i1 to i32
      %cond3A_94 = arith.constant 0 : i32
      %cond3A_95 = arith.cmpi ne, %convert_element_type3A_93, %cond3A_94 : i32
      scf.if %cond3A_95 {
        %add3A_97 = arith.constant 2 : i32
        %add3A_98 = arith.addi %add3A_90, %add3A_97 : i32
        %lt3A_99 = arith.constant 50 : i32
        %lt3A_100 = arith.cmpi slt, %add3A_98, %lt3A_99 : i32
        %convert_element_type3A_101 = arith.extui %lt3A_100 : i1 to i32
        %cond3A_102 = arith.constant 0 : i32
        %cond3A_103 = arith.cmpi ne, %convert_element_type3A_101, %cond3A_102 : i32
        scf.if %cond3A_103 {
          %ge3A = arith.constant 1 : i32
          %ge3A_117 = arith.cmpi sge, %add3A_90, %ge3A : i32
          %convert_element_type3A_118 = arith.extui %ge3A_117 : i1 to i32
          %cond3A_119 = arith.constant 0 : i32
          %cond3A_120 = arith.cmpi ne, %convert_element_type3A_118, %cond3A_119 : i32
          scf.if %cond3A_120 {
            %dma_wait3A_129 = arith.constant 0 : i32
            %dma_wait3A_130 = arith.constant 0 : i32
            %dma_wait3A_131 = tpu.memref_slice %arg7[%dma_wait3A_129, %dma_wait3A_130] : memref<204800x128xf32, #tpu.memory_space<hbm>> -> memref<128x128xf32, #tpu.memory_space<hbm>>
            %dma_wait3A_132 = arith.constant 0 : i32
            %dma_wait3A_133 = arith.constant 0 : i32
            %dma_wait3A_134 = tpu.memref_slice %arg7[%dma_wait3A_132, %dma_wait3A_133] : memref<204800x128xf32, #tpu.memory_space<hbm>> -> memref<128x128xf32, #tpu.memory_space<hbm>>
            tpu.wait_dma2 semaphore(%arg26 : memref<!tpu.dma_semaphore, #tpu.memory_space<semaphore_mem>>) src(%arg14 : memref<128x128xf32, #tpu.memory_space<vmem>>) dst(%dma_wait3A_134 : memref<128x128xf32, #tpu.memory_space<hbm>>)
          } else {
          }
          %add3A_121 = arith.constant 2 : i32
          %add3A_122 = arith.addi %add3A_90, %add3A_121 : i32
          %mul3A_123 = arith.constant 128 : i32
          %mul3A_124 = arith.muli %add3A_122, %mul3A_123 : i32
          %dma_start3A_125 = tpu.memref_slice %arg9[%mul3A_124] : memref<6400xi32, #tpu.memory_space<vmem>> -> memref<128xi32, #tpu.memory_space<vmem>>
          %dma_start3A_126 = arith.constant 0 : i32
          %dma_start3A_127 = arith.constant 0 : i32
          %dma_start3A_128 = tpu.memref_slice %arg3[%dma_start3A_126, %dma_start3A_127] : memref<100000x128xf32, #tpu.memory_space<hbm>> -> memref<100000x128xf32, #tpu.memory_space<hbm>>
          tpu.enqueue_indirect_dma source(%dma_start3A_128 : memref<100000x128xf32, #tpu.memory_space<hbm>>) target(%arg14 : memref<128x128xf32, #tpu.memory_space<vmem>>) offsets(%dma_start3A_125 : memref<128xi32, #tpu.memory_space<vmem>>) semaphore(%arg20 : memref<!tpu.dma_semaphore, #tpu.memory_space<semaphore_mem>>)
        } else {
        }
        %dma_wait3A_104 = arith.constant 0 : i32
        %dma_wait3A_105 = arith.constant 0 : i32
        %dma_wait3A_106 = tpu.memref_slice %arg3[%dma_wait3A_104, %dma_wait3A_105] : memref<100000x128xf32, #tpu.memory_space<hbm>> -> memref<128x128xf32, #tpu.memory_space<hbm>>
        %dma_wait3A_107 = arith.constant 0 : i32
        %dma_wait3A_108 = arith.constant 0 : i32
        %dma_wait3A_109 = tpu.memref_slice %arg3[%dma_wait3A_107, %dma_wait3A_108] : memref<100000x128xf32, #tpu.memory_space<hbm>> -> memref<128x128xf32, #tpu.memory_space<hbm>>
        tpu.wait_dma2 semaphore(%arg21 : memref<!tpu.dma_semaphore, #tpu.memory_space<semaphore_mem>>) src(%dma_wait3A_109 : memref<128x128xf32, #tpu.memory_space<hbm>>) dst(%arg15 : memref<128x128xf32, #tpu.memory_space<vmem>>)
        %mul3A_110 = arith.constant 128 : i32
        %mul3A_111 = arith.muli %add3A_90, %mul3A_110 : i32
        %add3A_112 = arith.addi %mul3A_2, %mul3A_111 : i32
        %dma_start3A_113 = arith.constant 0 : i32
        %dma_start3A_114 = tpu.memref_slice %arg7[%add3A_112, %dma_start3A_113] : memref<204800x128xf32, #tpu.memory_space<hbm>> -> memref<128x128xf32, #tpu.memory_space<hbm>>
        %dma_start3A_115 = arith.constant 0 : i32
        %dma_start3A_116 = tpu.memref_slice %arg7[%add3A_112, %dma_start3A_115] : memref<204800x128xf32, #tpu.memory_space<hbm>> -> memref<128x128xf32, #tpu.memory_space<hbm>>
        tpu.enqueue_dma source(%arg15 : memref<128x128xf32, #tpu.memory_space<vmem>>) target(%dma_start3A_116 : memref<128x128xf32, #tpu.memory_space<hbm>>) target_semaphore(%arg27 : memref<!tpu.dma_semaphore, #tpu.memory_space<semaphore_mem>>)
      } else {
      }
      %scan3A_96 = arith.constant 0 : i32
      scf.yield %scan3A_96 : i32
    }
    %scan3A_51 = arith.constant 17 : i32
    %dma_wait3A_52 = arith.constant 0 : i32
    %dma_wait3A_53 = arith.constant 0 : i32
    %dma_wait3A_54 = tpu.memref_slice %arg7[%dma_wait3A_52, %dma_wait3A_53] : memref<204800x128xf32, #tpu.memory_space<hbm>> -> memref<128x128xf32, #tpu.memory_space<hbm>>
    %dma_wait3A_55 = arith.constant 0 : i32
    %dma_wait3A_56 = arith.constant 0 : i32
    %dma_wait3A_57 = tpu.memref_slice %arg7[%dma_wait3A_55, %dma_wait3A_56] : memref<204800x128xf32, #tpu.memory_space<hbm>> -> memref<128x128xf32, #tpu.memory_space<hbm>>
    tpu.wait_dma2 semaphore(%arg27 : memref<!tpu.dma_semaphore, #tpu.memory_space<semaphore_mem>>) src(%arg15 : memref<128x128xf32, #tpu.memory_space<vmem>>) dst(%dma_wait3A_57 : memref<128x128xf32, #tpu.memory_space<hbm>>)
    %dma_wait3A_58 = arith.constant 0 : i32
    %dma_wait3A_59 = arith.constant 0 : i32
    %dma_wait3A_60 = tpu.memref_slice %arg7[%dma_wait3A_58, %dma_wait3A_59] : memref<204800x128xf32, #tpu.memory_space<hbm>> -> memref<128x128xf32, #tpu.memory_space<hbm>>
    %dma_wait3A_61 = arith.constant 0 : i32
    %dma_wait3A_62 = arith.constant 0 : i32
    %dma_wait3A_63 = tpu.memref_slice %arg7[%dma_wait3A_61, %dma_wait3A_62] : memref<204800x128xf32, #tpu.memory_space<hbm>> -> memref<128x128xf32, #tpu.memory_space<hbm>>
    tpu.wait_dma2 semaphore(%arg25 : memref<!tpu.dma_semaphore, #tpu.memory_space<semaphore_mem>>) src(%arg13 : memref<128x128xf32, #tpu.memory_space<vmem>>) dst(%dma_wait3A_63 : memref<128x128xf32, #tpu.memory_space<hbm>>)
    %dma_wait3A_64 = arith.constant 0 : i32
    %dma_wait3A_65 = arith.constant 0 : i32
    %dma_wait3A_66 = tpu.memref_slice %arg7[%dma_wait3A_64, %dma_wait3A_65] : memref<204800x128xf32, #tpu.memory_space<hbm>> -> memref<128x128xf32, #tpu.memory_space<hbm>>
    %dma_wait3A_67 = arith.constant 0 : i32
    %dma_wait3A_68 = arith.constant 0 : i32
    %dma_wait3A_69 = tpu.memref_slice %arg7[%dma_wait3A_67, %dma_wait3A_68] : memref<204800x128xf32, #tpu.memory_space<hbm>> -> memref<128x128xf32, #tpu.memory_space<hbm>>
    tpu.wait_dma2 semaphore(%arg26 : memref<!tpu.dma_semaphore, #tpu.memory_space<semaphore_mem>>) src(%arg14 : memref<128x128xf32, #tpu.memory_space<vmem>>) dst(%dma_wait3A_69 : memref<128x128xf32, #tpu.memory_space<hbm>>)
    return
  }
}

module attributes {stable_mosaic.version = 14 : i64} {
  func.func @_ln_kernel(%arg0: i32, %arg1: memref<32x200x128xf32, #tpu.memory_space<vmem>>, %arg2: memref<32x200x128xf32, #tpu.memory_space<vmem>>, %arg3: memref<32x200xi32, #tpu.memory_space<vmem>>, %arg4: memref<3x200x128xf32, #tpu.memory_space<vmem>>, %arg5: memref<1x128xf32, #tpu.memory_space<vmem>>, %arg6: memref<1x128xf32, #tpu.memory_space<vmem>>, %arg7: memref<1x128xf32, #tpu.memory_space<vmem>>, %arg8: memref<1x128xf32, #tpu.memory_space<vmem>>, %arg9: memref<32x200x128xf32, #tpu.memory_space<vmem>>, %arg10: memref<32x200x128xf32, #tpu.memory_space<vmem>>) attributes {dimension_semantics = [#tpu.dimension_semantics<arbitrary>], iteration_bounds = array<i64: 32>, scalar_prefetch = 0 : i64, scratch_operands = 0 : i64, tpu.core_type = #tpu.core_type<tc>, window_params = [{transform_indices = @transform_0, window_bounds = array<i64: 32, 200, 128>}, {transform_indices = @transform_1, window_bounds = array<i64: 32, 200, 128>}, {transform_indices = @transform_2, window_bounds = array<i64: 32, 200>}, {pipeline_mode = #tpu.pipeline_mode<synchronous>, transform_indices = @transform_3, window_bounds = array<i64: 3, 200, 128>}, {pipeline_mode = #tpu.pipeline_mode<synchronous>, transform_indices = @transform_4, window_bounds = array<i64: 1, 128>}, {pipeline_mode = #tpu.pipeline_mode<synchronous>, transform_indices = @transform_5, window_bounds = array<i64: 1, 128>}, {pipeline_mode = #tpu.pipeline_mode<synchronous>, transform_indices = @transform_6, window_bounds = array<i64: 1, 128>}, {pipeline_mode = #tpu.pipeline_mode<synchronous>, transform_indices = @transform_7, window_bounds = array<i64: 1, 128>}, {transform_indices = @transform_8, window_bounds = array<i64: 32, 200, 128>}, {transform_indices = @transform_9, window_bounds = array<i64: 32, 200, 128>}]} {
    %get3A = arith.constant 0 : index
    %get3A_0 = arith.constant 0 : index
    %get3A_1 = arith.constant 0 : index
    %get3A_2 = vector.load %arg1[%get3A, %get3A_0, %get3A_1] : memref<32x200x128xf32, #tpu.memory_space<vmem>>, vector<32x200x128xf32>
    %get3A_3 = arith.constant 0 : index
    %get3A_4 = arith.constant 0 : index
    %get3A_5 = vector.load %arg5[%get3A_3, %get3A_4] : memref<1x128xf32, #tpu.memory_space<vmem>>, vector<1x128xf32>
    %get3A_6 = arith.constant 0 : index
    %get3A_7 = arith.constant 0 : index
    %get3A_8 = vector.load %arg6[%get3A_6, %get3A_7] : memref<1x128xf32, #tpu.memory_space<vmem>>, vector<1x128xf32>
    %reduce_sum3A = arith.constant dense<0.000000e+00> : vector<32x200xf32>
    %reduce_sum3A_9 = vector.multi_reduction <add>, %get3A_2, %reduce_sum3A [2] : vector<32x200x128xf32> to vector<32x200xf32>
    %mul3A = arith.constant 7.812500e-03 : f32
    %mul3A_10 = vector.broadcast %mul3A : f32 to vector<32x200xf32>
    %mul3A_11 = arith.mulf %reduce_sum3A_9, %mul3A_10 : vector<32x200xf32>
    %broadcast_in_dim3A = vector.shape_cast %mul3A_11 : vector<32x200xf32> to vector<32x200x1xf32>
    %sub3A = vector.broadcast %broadcast_in_dim3A : vector<32x200x1xf32> to vector<32x200x128xf32>
    %sub3A_12 = arith.subf %get3A_2, %sub3A : vector<32x200x128xf32>
    %mul3A_13 = arith.mulf %sub3A_12, %sub3A_12 : vector<32x200x128xf32>
    %reduce_sum3A_14 = arith.constant dense<0.000000e+00> : vector<32x200xf32>
    %reduce_sum3A_15 = vector.multi_reduction <add>, %mul3A_13, %reduce_sum3A_14 [2] : vector<32x200x128xf32> to vector<32x200xf32>
    %mul3A_16 = arith.constant 0.00787401571 : f32
    %mul3A_17 = vector.broadcast %mul3A_16 : f32 to vector<32x200xf32>
    %mul3A_18 = arith.mulf %reduce_sum3A_15, %mul3A_17 : vector<32x200xf32>
    %max3A = arith.constant 1.000000e-30 : f32
    %max3A_19 = vector.broadcast %max3A : f32 to vector<32x200xf32>
    %max3A_20 = arith.maximumf %mul3A_18, %max3A_19 : vector<32x200xf32>
    %rsqrt3A = math.rsqrt %max3A_20 : vector<32x200xf32>
    %broadcast_in_dim3A_21 = vector.shape_cast %rsqrt3A : vector<32x200xf32> to vector<32x200x1xf32>
    %broadcast_in_dim3A_22 = vector.shape_cast %get3A_5 : vector<1x128xf32> to vector<1x1x128xf32>
    %mul3A_23 = vector.broadcast %broadcast_in_dim3A_21 : vector<32x200x1xf32> to vector<32x200x128xf32>
    %mul3A_24 = vector.broadcast %broadcast_in_dim3A_22 : vector<1x1x128xf32> to vector<32x200x128xf32>
    %mul3A_25 = arith.mulf %mul3A_23, %mul3A_24 : vector<32x200x128xf32>
    %mul3A_26 = arith.mulf %sub3A_12, %mul3A_25 : vector<32x200x128xf32>
    %broadcast_in_dim3A_27 = vector.shape_cast %get3A_8 : vector<1x128xf32> to vector<1x1x128xf32>
    %add3A = vector.broadcast %broadcast_in_dim3A_27 : vector<1x1x128xf32> to vector<32x200x128xf32>
    %add3A_28 = arith.addf %mul3A_26, %add3A : vector<32x200x128xf32>
    %swap3A = arith.constant 0 : index
    %swap3A_29 = arith.constant 0 : index
    %swap3A_30 = arith.constant 0 : index
    %swap3A_31 = vector.load %arg9[%swap3A, %swap3A_29, %swap3A_30] : memref<32x200x128xf32, #tpu.memory_space<vmem>>, vector<32x200x128xf32>
    tpu.vector_store %arg9[%swap3A, %swap3A_29, %swap3A_30], %add3A_28 {strides = array<i32>} : memref<32x200x128xf32, #tpu.memory_space<vmem>>, vector<32x200x128xf32>,
    %get3A_32 = arith.constant 0 : index
    %get3A_33 = arith.constant 0 : index
    %get3A_34 = vector.load %arg3[%get3A_32, %get3A_33] : memref<32x200xi32, #tpu.memory_space<vmem>>, vector<32x200xi32>
    %broadcast_in_dim3A_35 = vector.shape_cast %get3A_34 : vector<32x200xi32> to vector<32x200x1xi32>
    %get3A_36 = arith.constant 0 : index
    %get3A_37 = arith.constant 0 : index
    %get3A_38 = arith.constant 0 : index
    %get3A_39 = vector.load %arg4[%get3A_36, %get3A_37, %get3A_38] : memref<3x200x128xf32, #tpu.memory_space<vmem>>, vector<3x200x128xf32>
    %get3A_40 = arith.constant 0 : index
    %get3A_41 = arith.constant 0 : index
    %get3A_42 = arith.constant 0 : index
    %get3A_43 = vector.load %arg2[%get3A_40, %get3A_41, %get3A_42] : memref<32x200x128xf32, #tpu.memory_space<vmem>>, vector<32x200x128xf32>
    %eq3A = arith.constant 0 : i32
    %eq3A_44 = vector.broadcast %eq3A : i32 to vector<32x200x1xi32>
    %eq3A_45 = arith.cmpi eq, %broadcast_in_dim3A_35, %eq3A_44 : vector<32x200x1xi32>
    %slice3A = vector.extract_strided_slice %get3A_39 {offsets = [0, 0, 0], sizes = [1, 200, 128], strides = [1, 1, 1]} : vector<3x200x128xf32> to vector<1x200x128xf32>
    %squeeze3A = vector.shape_cast %slice3A : vector<1x200x128xf32> to vector<200x128xf32>
    %eq3A_46 = arith.constant 1 : i32
    %eq3A_47 = vector.broadcast %eq3A_46 : i32 to vector<32x200x1xi32>
    %eq3A_48 = arith.cmpi eq, %broadcast_in_dim3A_35, %eq3A_47 : vector<32x200x1xi32>
    %slice3A_49 = vector.extract_strided_slice %get3A_39 {offsets = [1, 0, 0], sizes = [1, 200, 128], strides = [1, 1, 1]} : vector<3x200x128xf32> to vector<1x200x128xf32>
    %squeeze3A_50 = vector.shape_cast %slice3A_49 : vector<1x200x128xf32> to vector<200x128xf32>
    %slice3A_51 = vector.extract_strided_slice %get3A_39 {offsets = [2, 0, 0], sizes = [1, 200, 128], strides = [1, 1, 1]} : vector<3x200x128xf32> to vector<1x200x128xf32>
    %squeeze3A_52 = vector.shape_cast %slice3A_51 : vector<1x200x128xf32> to vector<200x128xf32>
    %broadcast_in_dim3A_53 = vector.shape_cast %eq3A_48 : vector<32x200x1xi1> to vector<32x200x1xi1>
    %broadcast_in_dim3A_54 = vector.broadcast %broadcast_in_dim3A_53 : vector<32x200x1xi1> to vector<32x200x128xi1>
    %broadcast_in_dim3A_55 = vector.shape_cast %squeeze3A_50 : vector<200x128xf32> to vector<1x200x128xf32>
    %broadcast_in_dim3A_56 = vector.broadcast %broadcast_in_dim3A_55 : vector<1x200x128xf32> to vector<32x200x128xf32>
    %broadcast_in_dim3A_57 = vector.shape_cast %squeeze3A_52 : vector<200x128xf32> to vector<1x200x128xf32>
    %broadcast_in_dim3A_58 = vector.broadcast %broadcast_in_dim3A_57 : vector<1x200x128xf32> to vector<32x200x128xf32>
    %select_n3A = arith.select %broadcast_in_dim3A_54, %broadcast_in_dim3A_56, %broadcast_in_dim3A_58 : vector<32x200x128xi1>, vector<32x200x128xf32>
    %broadcast_in_dim3A_59 = vector.shape_cast %eq3A_45 : vector<32x200x1xi1> to vector<32x200x1xi1>
    %broadcast_in_dim3A_60 = vector.broadcast %broadcast_in_dim3A_59 : vector<32x200x1xi1> to vector<32x200x128xi1>
    %broadcast_in_dim3A_61 = vector.shape_cast %squeeze3A : vector<200x128xf32> to vector<1x200x128xf32>
    %broadcast_in_dim3A_62 = vector.broadcast %broadcast_in_dim3A_61 : vector<1x200x128xf32> to vector<32x200x128xf32>
    %select_n3A_63 = arith.select %broadcast_in_dim3A_60, %broadcast_in_dim3A_62, %select_n3A : vector<32x200x128xi1>, vector<32x200x128xf32>
    %add3A_64 = arith.addf %get3A_43, %select_n3A_63 : vector<32x200x128xf32>
    %get3A_65 = arith.constant 0 : index
    %get3A_66 = arith.constant 0 : index
    %get3A_67 = vector.load %arg7[%get3A_65, %get3A_66] : memref<1x128xf32, #tpu.memory_space<vmem>>, vector<1x128xf32>
    %get3A_68 = arith.constant 0 : index
    %get3A_69 = arith.constant 0 : index
    %get3A_70 = vector.load %arg8[%get3A_68, %get3A_69] : memref<1x128xf32, #tpu.memory_space<vmem>>, vector<1x128xf32>
    %reduce_sum3A_71 = arith.constant dense<0.000000e+00> : vector<32x200xf32>
    %reduce_sum3A_72 = vector.multi_reduction <add>, %add3A_64, %reduce_sum3A_71 [2] : vector<32x200x128xf32> to vector<32x200xf32>
    %mul3A_73 = arith.constant 7.812500e-03 : f32
    %mul3A_74 = vector.broadcast %mul3A_73 : f32 to vector<32x200xf32>
    %mul3A_75 = arith.mulf %reduce_sum3A_72, %mul3A_74 : vector<32x200xf32>
    %broadcast_in_dim3A_76 = vector.shape_cast %mul3A_75 : vector<32x200xf32> to vector<32x200x1xf32>
    %sub3A_77 = vector.broadcast %broadcast_in_dim3A_76 : vector<32x200x1xf32> to vector<32x200x128xf32>
    %sub3A_78 = arith.subf %add3A_64, %sub3A_77 : vector<32x200x128xf32>
    %mul3A_79 = arith.mulf %sub3A_78, %sub3A_78 : vector<32x200x128xf32>
    %reduce_sum3A_80 = arith.constant dense<0.000000e+00> : vector<32x200xf32>
    %reduce_sum3A_81 = vector.multi_reduction <add>, %mul3A_79, %reduce_sum3A_80 [2] : vector<32x200x128xf32> to vector<32x200xf32>
    %mul3A_82 = arith.constant 0.00787401571 : f32
    %mul3A_83 = vector.broadcast %mul3A_82 : f32 to vector<32x200xf32>
    %mul3A_84 = arith.mulf %reduce_sum3A_81, %mul3A_83 : vector<32x200xf32>
    %max3A_85 = arith.constant 1.000000e-30 : f32
    %max3A_86 = vector.broadcast %max3A_85 : f32 to vector<32x200xf32>
    %max3A_87 = arith.maximumf %mul3A_84, %max3A_86 : vector<32x200xf32>
    %rsqrt3A_88 = math.rsqrt %max3A_87 : vector<32x200xf32>
    %broadcast_in_dim3A_89 = vector.shape_cast %rsqrt3A_88 : vector<32x200xf32> to vector<32x200x1xf32>
    %broadcast_in_dim3A_90 = vector.shape_cast %get3A_67 : vector<1x128xf32> to vector<1x1x128xf32>
    %mul3A_91 = vector.broadcast %broadcast_in_dim3A_89 : vector<32x200x1xf32> to vector<32x200x128xf32>
    %mul3A_92 = vector.broadcast %broadcast_in_dim3A_90 : vector<1x1x128xf32> to vector<32x200x128xf32>
    %mul3A_93 = arith.mulf %mul3A_91, %mul3A_92 : vector<32x200x128xf32>
    %mul3A_94 = arith.mulf %sub3A_78, %mul3A_93 : vector<32x200x128xf32>
    %broadcast_in_dim3A_95 = vector.shape_cast %get3A_70 : vector<1x128xf32> to vector<1x1x128xf32>
    %add3A_96 = vector.broadcast %broadcast_in_dim3A_95 : vector<1x1x128xf32> to vector<32x200x128xf32>
    %add3A_97 = arith.addf %mul3A_94, %add3A_96 : vector<32x200x128xf32>
    %swap3A_98 = arith.constant 0 : index
    %swap3A_99 = arith.constant 0 : index
    %swap3A_100 = arith.constant 0 : index
    %swap3A_101 = vector.load %arg10[%swap3A_98, %swap3A_99, %swap3A_100] : memref<32x200x128xf32, #tpu.memory_space<vmem>>, vector<32x200x128xf32>
    tpu.vector_store %arg10[%swap3A_98, %swap3A_99, %swap3A_100], %add3A_97 {strides = array<i32>} : memref<32x200x128xf32, #tpu.memory_space<vmem>>, vector<32x200x128xf32>,
    return
  }
  func.func @transform_0(%arg0: i32) -> (i32, i32, i32) {
    %c0_i32 = arith.constant 0 : i32
    %c0_i32_0 = arith.constant 0 : i32
    %c0_i32_1 = arith.constant 0 : i32
    return %arg0, %c0_i32, %c0_i32_0 : i32, i32, i32
  }
  func.func @transform_1(%arg0: i32) -> (i32, i32, i32) {
    %c0_i32 = arith.constant 0 : i32
    %c0_i32_0 = arith.constant 0 : i32
    %c0_i32_1 = arith.constant 0 : i32
    return %arg0, %c0_i32, %c0_i32_0 : i32, i32, i32
  }
  func.func @transform_2(%arg0: i32) -> (i32, i32) {
    %c0_i32 = arith.constant 0 : i32
    %c0_i32_0 = arith.constant 0 : i32
    return %arg0, %c0_i32 : i32, i32
  }
  func.func @transform_3(%arg0: i32) -> (i32, i32, i32) {
    %c0_i32 = arith.constant 0 : i32
    %c0_i32_0 = arith.constant 0 : i32
    %c0_i32_1 = arith.constant 0 : i32
    %c0_i32_2 = arith.constant 0 : i32
    return %c0_i32, %c0_i32_0, %c0_i32_1 : i32, i32, i32
  }
  func.func @transform_4(%arg0: i32) -> (i32, i32) {
    %c0_i32 = arith.constant 0 : i32
    %c0_i32_0 = arith.constant 0 : i32
    %c0_i32_1 = arith.constant 0 : i32
    return %c0_i32, %c0_i32_0 : i32, i32
  }
  func.func @transform_5(%arg0: i32) -> (i32, i32) {
    %c0_i32 = arith.constant 0 : i32
    %c0_i32_0 = arith.constant 0 : i32
    %c0_i32_1 = arith.constant 0 : i32
    return %c0_i32, %c0_i32_0 : i32, i32
  }
  func.func @transform_6(%arg0: i32) -> (i32, i32) {
    %c0_i32 = arith.constant 0 : i32
    %c0_i32_0 = arith.constant 0 : i32
    %c0_i32_1 = arith.constant 0 : i32
    return %c0_i32, %c0_i32_0 : i32, i32
  }
  func.func @transform_7(%arg0: i32) -> (i32, i32) {
    %c0_i32 = arith.constant 0 : i32
    %c0_i32_0 = arith.constant 0 : i32
    %c0_i32_1 = arith.constant 0 : i32
    return %c0_i32, %c0_i32_0 : i32, i32
  }
  func.func @transform_8(%arg0: i32) -> (i32, i32, i32) {
    %c0_i32 = arith.constant 0 : i32
    %c0_i32_0 = arith.constant 0 : i32
    %c0_i32_1 = arith.constant 0 : i32
    return %arg0, %c0_i32, %c0_i32_0 : i32, i32, i32
  }
  func.func @transform_9(%arg0: i32) -> (i32, i32, i32) {
    %c0_i32 = arith.constant 0 : i32
    %c0_i32_0 = arith.constant 0 : i32
    %c0_i32_1 = arith.constant 0 : i32
    return %arg0, %c0_i32, %c0_i32_0 : i32, i32, i32
  }
}

</mosaic_0001>

<sc_bundles>
// kernel: kernel.4.cloned.1.call-start
scs
__scs_entry_jumppad:
0x0: {  	(pc) =	sbr.rel $0x88, $3  }
0x1: {  	(tag) =	ssettag $0x0;
	lr =	simm.s32 $0x1  }
0x2: {  	[smem:$0x3F96] =	sst lr;
	_ =	strace $0xD0000000  }
0x3: {  	_ = 	snop  }
0x4: {  	_ = 	snop  }
0x5: {  	_ = 	snop  }
0x6: {  	_ = 	snop  }
0x7: {  	_ = 	snop  }
__scs_overlays_trampoline_lowered:
0x8: {  	[smem:$0x3FA5] =	sst s0  }
0x9: {  	[smem:$0x3FA6] =	sst s1  }
0xa: {  	[smem:$0x3FA7] =	sst s2  }
0xb: {  	[smem:$0x3FA8] =	sst s3  }
0xc: {  	[smem:$0x3FA9] =	sst s4  }
0xd: {  	[smem:$0x3FAA] =	sst s5  }
0xe: {  	[smem:$0x3FAB] =	sst s6  }
0xf: {  	[smem:$0x3FAC] =	sst s7  }
0x10: {  	[smem:$0x3FAD] =	sst s8  }
0x11: {  	[smem:$0x3FAE] =	sst s9;
	s0 =	simm.s32 @!p0 $0x0  }
0x12: {  	s1 =	sld [smem:$0x3F94];
	s0 =	simm.s32 @p0 $0x1  }
0x13: {  	[smem:$0x3FAF] =	sst s0;
	s0 =	simm.s32 @!p1 $0x0  }
0x14: {  	s2 =	sld [smem:$0x3F93];
	s0 =	simm.s32 @p1 $0x1  }
0x15: {  	[smem:$0x3FB0] =	sst s0;
	s0 =	simm.s32 @!p2 $0x0  }
0x16: {  	s3 =	sld [smem:$0x3FDB];
	s0 =	simm.s32 @p2 $0x1  }
0x17: {  	s4 =	simm.s32 $0x1BF5;
	[smem:$0x3FB2] =	sst s0  }
0x18: {  	s0 =	sld [smem:$0x3F95];
	_ =	swait.ge [sflag:s4], $0x0  }
0x19: {  	s7 =	sld [smem:$0x3F96]  }
0x1a: {  	s8 =	sadd.s32 $0xFFFFE003, lr  }
0x1b: {  	s9 =	sadd.s32 $0xFFFFFEF7, lr;
	s5 =	simm.s32 $0xFFFFFFFF;
	p2 =	slt.u32 s8, $0xFFFFF086  }
0x1c: {  	p1 =	slt.u32 s9, $0xF7A;
	s5 =	simm.s32 @!p2 $0x0  }
0x1d: {  	s5 =	simm.s32 @p1 $0x1;
	p0 =	seq.s32 s7, s2  }
0x1e: {  	s7 =	smul.u32 @!p0 $0xF7A, s2;
	p2 =	seq.s32 @!p0 s5, $0x0  }
0x1f: {  	s9 =	smul.u32 $0xF7A, s1;
	s8 =	simm.s32 @!p0 $0x1BF5;
	p2 =	por !p2, p0  }
0x20: {  	[sflag:s8] =	ssyncset.s32 @!p0 $0xFFFFF086;
	s6 =	sadd.s32 @!p0 s3, s7;
	s7 =	simm.s32 @!p0 $0x108  }
0x21: {  	s3 =	sadd.s32 s3, s9;
	s6 =	sadd.s32 @!p0 $0x88, s6;
	s7 =	simm.s32 @p2 $0x1082  }
0x22: {  	[simem:s7], [sflag:s8] =	dma.local @!p0 [hbm:s6], $0xF7A  }
0x23: {  	s9 =	sor.u32 $0xD0000000, s2;
	s6 =	simm.s32 $0x108;
	_ =	swait.ge @!p0 [sflag:s8], $0x0  }
0x24: {  	s3 =	sadd.s32 $0x88, s3;
	s6 =	simm.s32 @!p1 $0x1082;
	[sflag:s4] =	ssyncset.s32 $0xFFFFF086  }
0x25: {  	[simem:s6], [sflag:s4] =	dma.local [hbm:s3], $0xF7A  }
0x26: {  	[smem:$0x3F96] =	sst s1;
	(tag) =	ssettag s2;
	_ =	strace s9  }
0x27: {  	s1 =	sld [smem:$0x3FA6]  }
0x28: {  	s2 =	sld [smem:$0x3FA7]  }
0x29: {  	s4 =	sld [smem:$0x3FA9]  }
0x2a: {  	p0 =	seq.s32 s5, $0x0;
	s5 =	sld [smem:$0x3FAA]  }
0x2b: {  	s6 =	sld [smem:$0x3FAB]  }
0x2c: {  	s7 =	sld [smem:$0x3FAC]  }
0x2d: {  	s3 =	simm.s32 $0x108;
	s8 =	sld [smem:$0x3FAD]  }
0x2e: {  	s3 =	simm.s32 @!p0 $0x1082;
	s9 =	sld [smem:$0x3FAE]  }
0x2f: {  	lr =	sadd.s32 s0, s3;
	s0 =	sld [smem:$0x3FA5]  }
0x30: {  	s3 =	sld [smem:$0x3FA8]  }
0x31: {  	[smem:$0x3FB1] =	sst s10  }
0x32: {  	s10 =	sld [smem:$0x3FAF];
	_ =	sdelay $0x3  }
0x33: {  	p0 =	seq.s32 s10, $0x1;
	s10 =	sld [smem:$0x3FB1];
	_ =	sdelay $0x3  }
0x34: {  	[smem:$0x3FB1] =	sst s10  }
0x35: {  	s10 =	sld [smem:$0x3FB0];
	_ =	sdelay $0x3  }
0x36: {  	p1 =	seq.s32 s10, $0x1;
	s10 =	sld [smem:$0x3FB1];
	_ =	sdelay $0x3  }
0x37: {  	[smem:$0x3FB1] =	sst s10  }
0x38: {  	s10 =	sld [smem:$0x3FB2]  }
0x39: {  	_ = 	snop;
	(pc) =	sbr.ind lr, $3  }
0x3a: {  	_ = 	snop  }
0x3b: {  	_ = 	snop  }
0x3c: {  	p2 =	seq.s32 s10, $0x1;
	s10 =	sld [smem:$0x3FB1]  }
0x3d: {  	_ =	shalt  }
0x3e: {  	_ =	shalt  }
0x3f: {  	_ =	shalt  }
0x40: {  	_ =	shalt  }
0x41: {  	_ =	shalt  }
0x42: {  	_ =	shalt  }
0x43: {  	_ =	shalt  }
0x44: {  	_ =	shalt  }
0x45: {  	_ =	shalt  }
0x46: {  	_ =	shalt  }
0x47: {  	_ =	shalt  }
0x48: {  	_ =	shalt  }
0x49: {  	_ =	shalt  }
0x4a: {  	_ =	shalt  }
0x4b: {  	_ =	shalt  }
0x4c: {  	_ =	shalt  }
0x4d: {  	_ =	shalt  }
0x4e: {  	_ =	shalt  }
0x4f: {  	_ =	shalt  }
0x50: {  	_ =	shalt  }
0x51: {  	_ =	shalt  }
0x52: {  	_ =	shalt  }
0x53: {  	_ =	shalt  }
0x54: {  	_ =	shalt  }
0x55: {  	_ =	shalt  }
0x56: {  	_ =	shalt  }
0x57: {  	_ =	shalt  }
0x58: {  	_ =	shalt  }
0x59: {  	_ =	shalt  }
0x5a: {  	_ =	shalt  }
0x5b: {  	_ =	shalt  }
0x5c: {  	_ =	shalt  }
0x5d: {  	_ =	shalt  }
0x5e: {  	_ =	shalt  }
0x5f: {  	_ =	shalt  }
0x60: {  	_ =	shalt  }
0x61: {  	_ =	shalt  }
0x62: {  	_ =	shalt  }
0x63: {  	_ =	shalt  }
0x64: {  	_ =	shalt  }
0x65: {  	_ =	shalt  }
0x66: {  	_ =	shalt  }
0x67: {  	_ =	shalt  }
0x68: {  	_ =	shalt  }
0x69: {  	_ =	shalt  }
0x6a: {  	_ =	shalt  }
0x6b: {  	_ =	shalt  }
0x6c: {  	_ =	shalt  }
0x6d: {  	_ =	shalt  }
0x6e: {  	_ =	shalt  }
0x6f: {  	_ =	shalt  }
0x70: {  	_ =	shalt  }
0x71: {  	_ =	shalt  }
0x72: {  	_ =	shalt  }
0x73: {  	_ =	shalt  }
0x74: {  	_ =	shalt  }
0x75: {  	_ =	shalt  }
0x76: {  	_ =	shalt  }
0x77: {  	_ =	shalt  }
0x78: {  	_ =	shalt  }
0x79: {  	_ =	shalt  }
0x7a: {  	_ =	shalt  }
0x7b: {  	_ =	shalt  }
0x7c: {  	_ =	shalt  }
0x7d: {  	_ =	shalt  }
0x7e: {  	_ =	shalt  }
0x7f: {  	_ =	shalt  }
0x80: {  	_ =	shalt  }
0x81: {  	_ =	shalt  }
0x82: {  	_ =	shalt  }
0x83: {  	_ =	shalt  }
0x84: {  	_ =	shalt  }
0x85: {  	_ =	shalt  }
0x86: {  	_ =	shalt  }
0x87: {  	_ =	shalt  }
.Lfunc_end0:
.L_simem_size_0:
called_computation_lowered:
.L_overlay_start_0:
0x88: {  	s2 =	sld [smem:$0x3FD9]  }
0x89: {  	s3 =	sld [smem:$0x3FFE];
	_ =	sdelay $0x1  }
0x8a: {  	s1 =	srdreg.scid  }
0x8b: {  	s0 =	sand.u32 $0x1, s1  }
0x8c: {  	s14 =	sshll.u32 s0, $0xA;
	s2 =	sadd.s32 s3, s2  }
0x8d: {  	s2 =	sadd.s32 s2, s14  }
0x8e: {  	[smem:$0x3FBD] =	sst s2  }
0x8f: {  	_ = 	snop  }
0x90: {  	s2 =	sld [smem:$0x3FD0];
	_ =	sdelay $0x1  }
0x91: {  	s15 =	sld [smem:$0x3FC6]  }
0x92: {  	s5 =	simm.s32 $0xA;
	s6 =	simm.s32 $0x10;
	s4 =	sld [smem:$0x3FC3]  }
0x93: {  	[smem:s6], [sflag:s5] =	dma.local [hbm:s2], $0x1  }
0x94: {  	_ =	swait.eq [sflag:s5], $0x1  }
0x95: {  	[sflag:s5] =	ssyncset.done $0x0  }
0x96: {  	s16 =	sld [smem:$0x10];
	[sflag:s5] =	ssyncadd.s32 $0xFFFFFFFF  }
0x97: {  	s17 =	sld [smem:$0x11];
	(tm) =	ssettm $0x1  }
0x98: {  	s18 =	sld [smem:$0x3FFB];
	_ =	sdelay $0x3  }
0x99: {  	_ =	strace s18  }
0x9a: {  	s6 =	sld [smem:$0x3FFC];
	_ =	sdelay $0x3  }
0x9b: {  	_ =	strace s6  }
0x9c: {  	s6 =	sld [smem:$0x3FFD];
	_ =	sdelay $0x3  }
0x9d: {  	_ =	strace s6  }
0x9e: {  	_ =	strace $0x8FFFFFFF  }
0x9f: {  	s19 =	sld [smem:$0x3FDB];
	_ =	sdelay $0x1  }
0xa0: {  	s7 =	simm.s32 $_scs_section_size  }
0xa1: {  	s8 =	simm.s32 $_size__tile_overlayer_lowered;
	s9 =	simm.s32 $_tile_overlayer_lowered  }
0xa2: {  	s22 =	simm.s32 $0x1BFF;
	s21 =	sshll.u32 s9, $0x1;
	s6 =	sadd.s32 s7, s19  }
0xa3: {  	s10 =	simm.s32 $0x0;
	s20 =	sshll.u32 s8, $0x1;
	s8 =	sadd.s32 s21, s6  }
0xa4: {  	[timem:s10], [sflag:s22] =	dma.local [hbm:s8], s20  }
0xa5: {  	_ =	swait.ge [sflag:s22], s20  }
0xa6: {  	s7 =	ssub.s32 $0x0, s20;
	[sflag:s22] =	ssyncset.done $0x0  }
0xa7: {  	[sflag:s22] =	ssyncadd.s32 s7;
	_ =	sdelay $0x1  }
0xa8: {  	s23 =	simm.s32 $0x1B8B  }
0xa9: {  	_ =	swait.ge [sflag:s23], $0x1  }
0xaa: {  	[sflag:s23] =	ssyncset.done $0x0  }
0xab: {  	s25 =	simm.s32 $0x1B8E;
	s24 =	sld [smem:$0x3FFE];
	[sflag:s23] =	ssyncadd.s32 $0xFFFFFFFF  }
0xac: {  	s26 =	simm.s32 $execute0_lowered;
	[smem:$0x3FD2] =	sst s25  }
0xad: {  	s8 =	sshll.u32 s26, $0x1;
	_ =	strace $0x80000046;
	[dreg:$0x1] =	wrdreg $0xFFFFFFFF  }
0xae: {  	s28 =	simm.s32 $_size_execute0_lowered;
	s6 =	sadd.s32 s6, s8;
	[dreg:$0x0] =	wrdreg $0x0  }
0xaf: {  	s8 =	sshll.u32 s28, $0x1;
	[dreg:$0x2] =	wrdreg s6  }
0xb0: {  	[dreg:$0x3] =	wrdreg s8  }
0xb1: {  	[dreg:$0x4] =	wrdreg $0xC0  }
0xb2: {  	_ =	task [dreg:s10], $0x5FFFF  }
0xb3: {  	[dreg:$0x1] =	wrdreg $0xFFFFFFFF  }
0xb4: {  	[dreg:$0x0] =	wrdreg $0x60  }
0xb5: {  	[dreg:$0x2] =	wrdreg s15  }
0xb6: {  	[dreg:$0x3] =	wrdreg s4  }
0xb7: {  	[dreg:$0x4] =	wrdreg s17  }
0xb8: {  	[dreg:$0x5] =	wrdreg s16  }
0xb9: {  	[dreg:$0x6] =	wrdreg s24  }
0xba: {  	[dreg:$0x7] =	wrdreg $0x9  }
0xbb: {  	_ =	task.clear_ibuf [dreg:s10], $0x8FFFF;
	_ =	strace $0x90000046  }
0xbc: {  	s29 =	simm.s32 $0x9;
	_ =	strace $0x80000048  }
0xbd: {  	_ =	swait.ge [sflag:s29], $0x1  }
0xbe: {  	[sflag:s29] =	ssyncadd.s32 $0xFFFFFFFF  }
0xbf: {  	_ =	strace $0x90000048  }
0xc0: {  	_ =	sfence  }
0xc1: {  	s30 =	sld [smem:$0x0];
	_ =	sdelay $0x2  }
0xc2: {  	s31 =	sshll.u32 s1, $0xD;
	s1 =	sshrl.u32 s1, $0x2  }
0xc3: {  	s3 =	sand.u32 $0x4000, s31;
	s1 =	sadd.s32 s1, s30  }
0xc4: {  	s0 =	sor.u32 s3, s0;
	s1 =	sshll.u32 s1, $0x11  }
0xc5: {  	s0 =	sor.u32 s1, s0  }
0xc6: {  	s0 =	sadd.s32 $0x8F2B, s0  }
0xc7: {  	[sflag:s0] =	ssyncadd.remote.s32 $0x1  }
0xc8: {  	_ =	sfence.sel $0xFFFF  }
0xc9: {  	[dreg:$0x0] =	wrdreg $0xFFFFFFFF;
	(pc) =	sbr.abs _section_cstart, $3  }
0xca: {  	[dreg:$0x1] =	wrdreg $0xFFFFFFFF  }
0xcb: {  	_ =	task.clear_ibuf [dreg:s10], $0x2FFFF;
	_ =	strace $0x9FFFFFFF  }
0xcc: {  	(tm) =	ssettm $0x7FFFFFFF  }
0xcd: {  	_ =	shalt  }
tec
execute0_lowered:
.L_overlay_start_1:
0x0: {  	(tag) =	ssettag $0x1  }
0x1: {  	s1 =	rddreg [dreg:$0x0]  }
0x2: {  	s2 =	rddreg [dreg:$0x1]  }
0x3: {  	s0 =	rddreg [dreg:$0x2]  }
0x4: {  	s3 =	rddreg [dreg:$0x3]  }
0x5: {  	s5 =	rddreg [dreg:$0x4]  }
0x6: {  	s6 =	srdreg.scid;
	s12 =	stileid.u32  }
0x7: {  	s4 =	simm.s32 $0x0;
	s28 =	simm.s32 $0x8;
	s18 =	smul.u32 $0x190000, s12  }
0x8: {  	s29 =	simm.s32 $0x3;
	s6 =	sand.u32 $0x1, s6;
	s22 =	smul.u32 $0x32000, s12  }
0x9: {  	s31 =	simm.s32 $0xF200;
	s7 =	sshll.u32 s12, $0x1;
	s19 =	smul.u32 $0xC8000, s6  }
0xa: {  	[smem:$0x7FF] =	sst s4;
	s7 =	sor.u32 s6, s7;
	s23 =	smul.u32 $0x19000, s6  }
0xb: {  	s10 =	sadd.s32 $0x1800, s5;
	s5 =	sadd.s32 $0x321800, s5;
	s9 =	smul.u32 $0x1900, s7  }
0xc: {  	_ =	strace $0x80000047;
	s8 =	ssub.s32 $0x2, s6;
	s13 =	smul.u32 $0xC8000, s7  }
0xd: {  	s11 =	sshrl.u32 s8, $0x1;
	s15 =	smul.u32 $0x19000, s7;
	s25 =	sadd.s32 s22, s10  }
0xe: {  	s30 =	sadd.s32 s22, s5;
	s22 =	simm.s32 $0x7200;
	s8 =	ssub.s32 s8, s11  }
0xf: {  	s24 =	sadd.s32 s19, s18;
	s12 =	sadd.s32 s23, s25;
	s25 =	simm.s32 $0x7  }
0x10: {  	s18 =	simm.s32 $0x0;
	s9 =	sshrl.u32 s9, $0x3;
	s16 =	smax.u32 s8, $0x1  }
0x11: {  	s17 =	sshrl.u32 s13, $0x3;
	s7 =	sadd.s32 $0x8000, s24;
	s6 =	sor.u32 $0x4000, s24  }
0x12: {  	s24 =	simm.s32 $0x1;
	s8 =	simm.s32 $0xB;
	s0 =	sadd.s32 s0, s9  }
0x13: {  	s14 =	sadd.s32 s3, s9;
	[dreg:$0x8] =	wrdreg s16;
	s3 =	sadd.s32 $0x18800, s17  }
0x14: {  	s26 =	sshrl.u32 s7, $0x3;
	s6 =	sshrl.u32 s6, $0x3;
	[dreg:$0x6] =	wrdreg s0  }
0x15: {  	s7 =	simm.s32 $0x5;
	s9 =	simm.s32 $0x6;
	[dreg:$0x7] =	wrdreg s14  }
0x16: {  	s0 =	sadd.s32 $0x18000, s15;
	s21 =	sadd.s32 s10, s3;
	s3 =	sadd.s32 s5, s3  }
0x17: {  	s13 =	sadd.s32 s26, s10;
	s14 =	sadd.s32 s6, s10;
	s15 =	sadd.s32 s23, s30  }
0x18: {  	s16 =	sadd.s32 s26, s5;
	s17 =	sadd.s32 s6, s5;
	s23 =	simm.s32 $0xB200  }
.Ltmp0:
0x19: {  	s26 =	simm.s32 $0x2;
	s6 =	simm.s32 $0xA;
	(pc) =	sbr.rel .LBB2_1-.Ltmp0, $4  }
0x1a: {  	s20 =	sadd.s32 s10, s0;
	[dreg:$0xa] =	wrdreg s21;
	s0 =	sadd.s32 s5, s0  }
0x1b: {  	[dreg:$0xc] =	wrdreg s3;
	s21 =	simm.s32 $0x3200;
	s3 =	simm.s32 $0x13200  }
0x1c: {  	s5 =	simm.s32 $0x4;
	s10 =	simm.s32 $0xC;
	[dreg:$0x9] =	wrdreg s20  }
0x1d: {  	[dreg:$0xb] =	wrdreg s0;
	s20 =	simm.s32 $0x80;
	s0 =	simm.s32 $0x17200  }
.LBB2_13:
0x1e: {  	_ =	swait.ge [sflag:s5], $0x4000  }
0x1f: {  	[sflag:s5] =	ssyncset.done $0x0  }
0x20: {  	s11 =	rddreg [dreg:$0xb];
	[sflag:s5] =	ssyncadd.s32 $0xFFFFC000  }
0x21: {  	[hbm4b:s11+s4] =	stream.linear.scatter [tilespmem:s31], [sflag:$0xA], $0x4000, $0x38;
	[tilespmem:$0x1B200] =	vst v63  }
0x22: {  	_ =	swait.ge [sflag:s7], $0x4000  }
0x23: {  	[sflag:s7] =	ssyncset.done $0x0  }
0x24: {  	s19 =	rddreg [dreg:$0xc];
	[sflag:s7] =	ssyncadd.s32 $0xFFFFC000  }
0x25: {  	[hbm4b:s19+s4] =	stream.linear.scatter [tilespmem:s3], [sflag:$0xB], $0x4000, $0x38;
	[tilespmem:$0x1B200] =	vst v63  }
0x26: {  	_ =	swait.ge [sflag:s10], $0x4000  }
0x27: {  	[sflag:s10] =	ssyncset.done $0x0  }
0x28: {  	[sflag:s10] =	ssyncadd.s32 $0xFFFFC000  }
0x29: {  	_ =	swait.ge [sflag:s6], $0x4000  }
0x2a: {  	[sflag:s6] =	ssyncset.done $0x0  }
0x2b: {  	[sflag:s6] =	ssyncadd.s32 $0xFFFFC000  }
0x2c: {  	_ =	swait.ge [sflag:s8], $0x4000  }
0x2d: {  	s18 =	rddreg [dreg:$0xd]  }
0x2e: {  	s30 =	rddreg [dreg:$0x8];
	s18 =	sadd.s32 $0x1, s18  }
0x2f: {  	p0 =	sne.s32 s18, s30  }
.Ltmp1:
0x30: {  	_ = 	snop;
	(pc) =	sbr.rel @!p0 .LBB2_14-.Ltmp1, $3  }
0x31: {  	_ =	sdelay $0x1  }
0x32: {  	[sflag:s8] =	ssyncset.done $0x0  }
0x33: {  	[sflag:s8] =	ssyncadd.s32 $0xFFFFC000  }
.LBB2_1:
0x34: {  	[dreg:$0xd] =	wrdreg s18  }
0x35: {  	s11 =	rddreg [dreg:$0x6];
	s18 =	simm.s32 $0xD  }
0x36: {  	[tilespmem:s4], [sflag:$0xD] =	stream.linear.gather [hbm4b:s11+s4], $0x1900, $0x38;
	[tilespmem:$0x1B200] =	vst v63  }
0x37: {  	_ =	swait.ge [sflag:s18], $0x1900  }
0x38: {  	[sflag:s18] =	ssyncset.done $0x0  }
0x39: {  	s19 =	simm.s32 $0x1900;
	s30 =	rddreg [dreg:$0x7];
	[sflag:s18] =	ssyncadd.s32 $0xFFFFE700  }
0x3a: {  	[tilespmem:s19], [sflag:$0xD] =	stream.linear.gather [hbm4b:s30+s4], $0x1900, $0x38;
	[tilespmem:$0x1B200] =	vst v63  }
0x3b: {  	_ =	swait.ge [sflag:s18], $0x1900  }
.Ltmp2:
0x3c: {  	[sflag:s18] =	ssyncset.done $0x0;
	(pc) =	sbr.rel .LBB2_2-.Ltmp2, $4  }
0x3d: {  	[sflag:s18] =	ssyncadd.s32 $0xFFFFE700  }
0x3e: {  	[tilespmem:s21], [sflag:$0x1] =	stream.indirect.gather [hbm4b:s1+s20], $0x80, s4, s20, $0xb8;
	[tilespmem:$0x1B200] =	vst v63  }
0x3f: {  	s11 =	simm.s32 $0x0;
	s19 =	simm.s32 $0x100;
	s18 =	simm.s32 $0x0  }
0x40: {  	[tilespmem:s22], [sflag:$0x2] =	stream.indirect.gather [hbm4b:s1+s20], $0x80, s20, s20, $0xb8;
	[tilespmem:$0x1B200] =	vst v63  }
.LBB2_5:
0x41: {  	[tilespmem:s23], [sflag:$0x3] =	stream.indirect.gather [hbm4b:s1+s20], $0x80, s19, s20, $0xb8;
	[tilespmem:$0x1B200] =	vst v63  }
.LBB2_6:
0x42: {  	_ =	swait.ge [sflag:s24], $0x4000  }
0x43: {  	[sflag:s24] =	ssyncset.done $0x0  }
0x44: {  	s30 =	sadd.s32 s18, s12;
	[sflag:s24] =	ssyncadd.s32 $0xFFFFC000  }
0x45: {  	[hbm4b:s30+s4] =	stream.linear.scatter [tilespmem:s21], [sflag:$0x7], $0x4000, $0x38;
	[tilespmem:$0x1B200] =	vst v63  }
0x46: {  	_ =	swait.ge [sflag:s25], $0x4000  }
0x47: {  	[sflag:s25] =	ssyncset.done $0x0  }
0x48: {  	s30 =	sadd.s32 $0x80, s19;
	[sflag:s25] =	ssyncadd.s32 $0xFFFFC000  }
0x49: {  	[tilespmem:s21], [sflag:$0x1] =	stream.indirect.gather [hbm4b:s1+s20], $0x80, s30, s20, $0xb8;
	[tilespmem:$0x1B200] =	vst v63  }
0x4a: {  	_ =	swait.ge [sflag:s26], $0x4000  }
0x4b: {  	[sflag:s26] =	ssyncset.done $0x0  }
0x4c: {  	s30 =	sadd.s32 s18, s14;
	[sflag:s26] =	ssyncadd.s32 $0xFFFFC000  }
0x4d: {  	[hbm4b:s30+s4] =	stream.linear.scatter [tilespmem:s22], [sflag:$0x8], $0x4000, $0x38;
	[tilespmem:$0x1B200] =	vst v63  }
0x4e: {  	_ =	swait.ge [sflag:s28], $0x4000  }
0x4f: {  	[sflag:s28] =	ssyncset.done $0x0  }
0x50: {  	s30 =	sadd.s32 $0x100, s19;
	[sflag:s28] =	ssyncadd.s32 $0xFFFFC000  }
0x51: {  	[tilespmem:s22], [sflag:$0x2] =	stream.indirect.gather [hbm4b:s1+s20], $0x80, s30, s20, $0xb8;
	[tilespmem:$0x1B200] =	vst v63  }
0x52: {  	s30 =	sadd.s32 s18, s13;
	s18 =	sadd.s32 $0x1800, s18  }
0x53: {  	p0 =	sne.s32 s18, $0x18000  }
.Ltmp3:
0x54: {  	_ = 	snop;
	(pc) =	sbr.rel @!p0 .LBB2_7-.Ltmp3, $4  }
0x55: {  	_ =	swait.ge [sflag:s29], $0x4000  }
0x56: {  	[sflag:s29] =	ssyncset.done $0x0  }
0x57: {  	s11 =	sadd.s32 $0x1, s11;
	s19 =	sadd.s32 $0x180, s19;
	[sflag:s29] =	ssyncadd.s32 $0xFFFFC000  }
0x58: {  	[hbm4b:s30+s4] =	stream.linear.scatter [tilespmem:s23], [sflag:$0x9], $0x4000, $0x38;
	[tilespmem:$0x1B200] =	vst v63  }
.LBB2_2:
0x59: {  	p0 =	seq.s32 s11, $0x0  }
.Ltmp4:
0x5a: {  	_ = 	snop;
	(pc) =	sbr.rel @p0 .LBB2_5-.Ltmp4, $1  }
0x5b: {  	_ =	sdelay $0x3  }
0x5c: {  	p0 =	seq.s32 s11, $0x10  }
.Ltmp5:
0x5d: {  	_ = 	snop;
	(pc) =	sbr.rel @p0 .LBB2_6-.Ltmp5, $1  }
0x5e: {  	_ =	sdelay $0x3  }
.Ltmp6:
0x5f: {  	(pc) =	sbr.rel .LBB2_5-.Ltmp6, $4  }
0x60: {  	s30 =	simm.s32 $0x9  }
0x61: {  	_ =	swait.ge [sflag:s30], $0x4000  }
0x62: {  	[sflag:s30] =	ssyncset.done $0x0  }
0x63: {  	[sflag:s30] =	ssyncadd.s32 $0xFFFFC000  }
.LBB2_7:
0x64: {  	_ =	swait.ge [sflag:s24], $0x4000  }
0x65: {  	[sflag:s24] =	ssyncset.done $0x0  }
0x66: {  	s19 =	simm.s32 $0x0;
	s11 =	rddreg [dreg:$0x9];
	[sflag:s24] =	ssyncadd.s32 $0xFFFFC000  }
0x67: {  	[hbm4b:s11+s19] =	stream.linear.scatter [tilespmem:s21], [sflag:$0x7], $0x4000, $0x38;
	[tilespmem:$0x1B200] =	vst v63  }
0x68: {  	_ =	swait.ge [sflag:s26], $0x4000  }
0x69: {  	[sflag:s26] =	ssyncset.done $0x0  }
0x6a: {  	s30 =	simm.s32 $0x9;
	s18 =	rddreg [dreg:$0xa];
	[sflag:s26] =	ssyncadd.s32 $0xFFFFC000  }
0x6b: {  	[hbm4b:s18+s19] =	stream.linear.scatter [tilespmem:s22], [sflag:$0x8], $0x4000, $0x38;
	[tilespmem:$0x1B200] =	vst v63  }
0x6c: {  	_ =	swait.ge [sflag:s30], $0x4000  }
0x6d: {  	[sflag:s30] =	ssyncset.done $0x0  }
0x6e: {  	[sflag:s30] =	ssyncadd.s32 $0xFFFFC000  }
0x6f: {  	_ =	swait.ge [sflag:s25], $0x4000  }
0x70: {  	[sflag:s25] =	ssyncset.done $0x0  }
0x71: {  	[sflag:s25] =	ssyncadd.s32 $0xFFFFC000  }
0x72: {  	_ =	swait.ge [sflag:s28], $0x4000  }
.Ltmp7:
0x73: {  	[sflag:s28] =	ssyncset.done $0x0;
	(pc) =	sbr.rel .LBB2_8-.Ltmp7, $4  }
0x74: {  	s18 =	simm.s32 $0x1900;
	[sflag:s28] =	ssyncadd.s32 $0xFFFFC000  }
0x75: {  	[tilespmem:s31], [sflag:$0x4] =	stream.indirect.gather [hbm4b:s2+s20], $0x80, s18, s20, $0xb8;
	[tilespmem:$0x1B200] =	vst v63  }
0x76: {  	s11 =	simm.s32 $0x0;
	s30 =	simm.s32 $0x1980;
	s18 =	simm.s32 $0x1A00  }
0x77: {  	[tilespmem:s3], [sflag:$0x5] =	stream.indirect.gather [hbm4b:s2+s20], $0x80, s30, s20, $0xb8;
	[tilespmem:$0x1B200] =	vst v63  }
.LBB2_11:
0x78: {  	[tilespmem:s0], [sflag:$0x6] =	stream.indirect.gather [hbm4b:s2+s20], $0x80, s18, s20, $0xb8;
	[tilespmem:$0x1B200] =	vst v63  }
.LBB2_12:
0x79: {  	_ =	swait.ge [sflag:s5], $0x4000  }
0x7a: {  	[sflag:s5] =	ssyncset.done $0x0  }
0x7b: {  	s30 =	sadd.s32 s19, s15;
	[sflag:s5] =	ssyncadd.s32 $0xFFFFC000  }
0x7c: {  	[hbm4b:s30+s4] =	stream.linear.scatter [tilespmem:s31], [sflag:$0xA], $0x4000, $0x38;
	[tilespmem:$0x1B200] =	vst v63  }
0x7d: {  	_ =	swait.ge [sflag:s6], $0x4000  }
0x7e: {  	[sflag:s6] =	ssyncset.done $0x0  }
0x7f: {  	s30 =	sadd.s32 $0x80, s18;
	[sflag:s6] =	ssyncadd.s32 $0xFFFFC000  }
0x80: {  	[tilespmem:s31], [sflag:$0x4] =	stream.indirect.gather [hbm4b:s2+s20], $0x80, s30, s20, $0xb8;
	[tilespmem:$0x1B200] =	vst v63  }
0x81: {  	_ =	swait.ge [sflag:s7], $0x4000  }
0x82: {  	[sflag:s7] =	ssyncset.done $0x0  }
0x83: {  	s30 =	sadd.s32 s19, s17;
	[sflag:s7] =	ssyncadd.s32 $0xFFFFC000  }
0x84: {  	[hbm4b:s30+s4] =	stream.linear.scatter [tilespmem:s3], [sflag:$0xB], $0x4000, $0x38;
	[tilespmem:$0x1B200] =	vst v63  }
0x85: {  	_ =	swait.ge [sflag:s8], $0x4000  }
0x86: {  	[sflag:s8] =	ssyncset.done $0x0  }
0x87: {  	s30 =	sadd.s32 $0x100, s18;
	[sflag:s8] =	ssyncadd.s32 $0xFFFFC000  }
0x88: {  	[tilespmem:s3], [sflag:$0x5] =	stream.indirect.gather [hbm4b:s2+s20], $0x80, s30, s20, $0xb8;
	[tilespmem:$0x1B200] =	vst v63  }
0x89: {  	s30 =	sadd.s32 s19, s16;
	s19 =	sadd.s32 $0x1800, s19  }
0x8a: {  	p0 =	sne.s32 s19, $0x18000  }
.Ltmp8:
0x8b: {  	_ = 	snop;
	(pc) =	sbr.rel @!p0 .LBB2_13-.Ltmp8, $4  }
0x8c: {  	_ =	swait.ge [sflag:s9], $0x4000  }
0x8d: {  	[sflag:s9] =	ssyncset.done $0x0  }
0x8e: {  	s11 =	sadd.s32 $0x1, s11;
	s18 =	sadd.s32 $0x180, s18;
	[sflag:s9] =	ssyncadd.s32 $0xFFFFC000  }
0x8f: {  	[hbm4b:s30+s4] =	stream.linear.scatter [tilespmem:s0], [sflag:$0xC], $0x4000, $0x38;
	[tilespmem:$0x1B200] =	vst v63  }
.LBB2_8:
0x90: {  	p0 =	seq.s32 s11, $0x0  }
.Ltmp9:
0x91: {  	_ = 	snop;
	(pc) =	sbr.rel @p0 .LBB2_11-.Ltmp9, $1  }
0x92: {  	_ =	sdelay $0x3  }
0x93: {  	p0 =	seq.s32 s11, $0x10  }
.Ltmp10:
0x94: {  	_ = 	snop;
	(pc) =	sbr.rel @p0 .LBB2_12-.Ltmp10, $1  }
0x95: {  	_ =	sdelay $0x3  }
.Ltmp11:
0x96: {  	(pc) =	sbr.rel .LBB2_11-.Ltmp11, $4  }
0x97: {  	_ = 	snop  }
0x98: {  	_ =	swait.ge [sflag:s10], $0x4000  }
0x99: {  	[sflag:s10] =	ssyncset.done $0x0  }
0x9a: {  	[sflag:s10] =	ssyncadd.s32 $0xFFFFC000  }
.LBB2_14:
0x9b: {  	_ =	sfence.sel $0x180000  }
0x9c: {  	[bflag:$0x0] =	sbarrier.arrive $0xFFFF  }
0x9d: {  	_ =	strace $0x90000047  }
0x9e: {  	s0 =	stileid.u32;
	[bflag:$0x2] =	sbarrier.arrive $0xFFFF  }
0x9f: {  	p0 =	sne.s32 s0, $0x0;
	s0 =	rddreg [dreg:$0x5]  }
0xa0: {  	s0 =	sadd.s32 @!p0 $0x100000, s0  }
0xa1: {  	[sflag:s0] =	ssyncadd.tile.s32 @!p0 $0x1;
	_ =	shalt  }
.Lfunc_end2:
_tile_overlayer_lowered:
.L_overlay_start_2:
0xa2: {  	(tag) =	ssettag $0x2  }
0xa3: {  	s0 =	rddreg [dreg:$0x0];
	s2 =	stileid.u32  }
0xa4: {  	s1 =	rddreg [dreg:$0x1];
	p0 =	sne.s32 s2, $0x0  }
0xa5: {  	s3 =	rddreg [dreg:$0x2];
	[bflag:$0x3] =	sbarrier.arrive $0xFFFF;
	s2 =	simm.s32 @!p0 $0x1C0D  }
0xa6: {  	[timem:s3], [sflag:s2] =	dma.local @!p0 [hbm:s0], s1  }
0xa7: {  	s0 =	simm.s32 @!p0 $0xD  }
0xa8: {  	_ =	swait.ge @!p0 [sflag:s0], s1  }
0xa9: {  	s1 =	ssub.s32 @!p0 $0x0, s1;
	[sflag:s0] =	ssyncset.done @!p0 $0x0  }
0xaa: {  	[sflag:s0] =	ssyncadd.s32 @!p0 s1  }
0xab: {  	[bflag:$0x3] =	sbarrier.arrive $0xFFFF  }
0xac: {  	_ =	shalt  }

</sc_bundles>
